<compile_context>
chip_gen: v7x
topology: tpu7x:2x2x1
jax: 0.10.2.dev20260603
libtpu: 0.0.44.dev20260713+nightly
codegen_flags: <defaults>
</compile_context>

<pallas_src>
import functools

import jax
import jax.numpy as jnp
from jax import lax
from jax.experimental import pallas as pl
from jax.experimental.pallas import tpu as pltpu
from jax.experimental.pallas import tpu_sc as plsc

NC = 2
NS = 16
NW = NC * NS
PACK_SHIFT = 14
GBLK = 32
SLOTS = 8
PREF = 4
SBLK = 128


def _hard_mask(node_mask_logit, n, dtype):
    node_mask_p = jax.nn.sigmoid(node_mask_logit)
    logits = jnp.log(jnp.concatenate([node_mask_p, 1.0 - node_mask_p], axis=0))
    u = jax.random.uniform(jax.random.key(42), logits.shape,
                           minval=1e-10, maxval=1.0)
    g = -jnp.log(-jnp.log(u))
    y_soft = jax.nn.softmax((logits + g) / 1.0, axis=0)
    idx = jnp.argmax(y_soft, axis=0)
    y_hard = jax.nn.one_hot(idx, logits.shape[0], axis=0, dtype=y_soft.dtype)
    y = y_hard + y_soft - jax.lax.stop_gradient(y_soft)
    return jnp.concatenate([y[0], jnp.ones((1,), dtype=dtype)])


def _make_sc_kernel(n, d, ept, n_words, acc_rows, rows_per_tile):
    mesh = plsc.VectorSubcoreMesh(core_axis_name="c", subcore_axis_name="s")
    epw = ept + SBLK

    @functools.partial(
        pl.kernel,
        mesh=mesh,
        compiler_params=pltpu.CompilerParams(needs_layout_passes=False),
        out_type=jax.ShapeDtypeStruct((NC, acc_rows, d), jnp.float32),
        scratch_types=[
            pltpu.VMEM((n_words,), jnp.int32),
            pltpu.VMEM((epw,), jnp.int32),
            pltpu.VMEM((SLOTS, GBLK), jnp.int32),
            pltpu.VMEM((SLOTS, GBLK), jnp.int32),
            pltpu.VMEM((8, d), jnp.float32),
            pltpu.VMEM_SHARED((acc_rows, d), jnp.float32),
            pltpu.SemaphoreType.DMA((SLOTS,)),
            pltpu.SemaphoreType.DMA((SLOTS,)),
        ],
    )
    def sc_kernel(mask_hbm, ei_hbm, x_hbm, outp_hbm,
                  mask_v, pck_v, sstg_v, dstg_v, zero_v, acc_sh,
                  sem_g, sem_s):
        cid = lax.axis_index("c")
        sid = lax.axis_index("s")
        wid = sid * NC + cid
        trash = n + sid

        pltpu.sync_copy(mask_hbm, mask_v)

        zero16 = jnp.zeros((16,), jnp.float32)
        for i in range(8):
            for j in range(d // 16):
                zero_v[i, pl.ds(j * 16, 16)] = zero16
        base = sid * rows_per_tile

        def zero_body(k, _):
            pltpu.async_copy(zero_v, acc_sh.at[pl.ds(base + k * 8, 8)],
                             sem_g.at[0])
            return 0
        lax.fori_loop(0, rows_per_tile // 8, zero_body, 0)

        def phase_a(dst_v):
            pltpu.sync_copy(ei_hbm.at[0, wid], pck_v.at[pl.ds(0, ept)])
            pltpu.sync_copy(ei_hbm.at[1, wid], dst_v)

            def compact_group(i, cnt):
                s16 = pck_v[pl.ds(i * 16, 16)]
                d16 = dst_v[pl.ds(i * 16, 16)]
                ws = plsc.load_gather(
                    mask_v, [lax.shift_right_logical(s16, 5)])
                wd = plsc.load_gather(
                    mask_v, [lax.shift_right_logical(d16, 5)])
                bs = lax.shift_right_logical(ws, s16 & 31)
                bd = lax.shift_right_logical(wd, d16 & 31)
                keep = (bs & bd & 1) == 1
                p16 = s16 | (d16 << PACK_SHIFT)
                plsc.store_compressed(pck_v.at[pl.ds(cnt, 16)], p16,
                                      mask=keep)
                return cnt + plsc.all_reduce_population_count(keep)[0]

            return lax.fori_loop(0, ept // 16, compact_group, jnp.int32(0),
                                 unroll=8)

        cnt = pl.run_scoped(phase_a, pltpu.VMEM((ept,), jnp.int32))

        padval = jnp.full((16,), trash << PACK_SHIFT, jnp.int32)
        for g in range(SBLK // 16):
            pck_v[pl.ds(cnt + g * 16, 16)] = padval
        nblk = jnp.maximum((cnt + GBLK - 1) // GBLK, 1)

        def zero_drain(k, _):
            pltpu.make_async_copy(zero_v, acc_sh.at[pl.ds(base + k * 8, 8)],
                                  sem_g.at[0]).wait()
            return 0
        lax.fori_loop(0, rows_per_tile // 8, zero_drain, 0)
        plsc.subcore_barrier()

        def phase_b(rows_v):
            def stage_block(b, slot):
                for g in range(GBLK // 16):
                    p16 = pck_v[pl.ds(b * GBLK + g * 16, 16)]
                    sstg_v[slot, pl.ds(g * 16, 16)] = (
                        p16 & ((1 << PACK_SHIFT) - 1))
                    dstg_v[slot, pl.ds(g * 16, 16)] = lax.shift_right_logical(
                        p16, PACK_SHIFT)

            for j in range(PREF):
                @pl.when(j < nblk)
                def _(j=j):
                    stage_block(j, j)
                    pltpu.make_async_copy(
                        x_hbm.at[sstg_v.at[j]], rows_v.at[j],
                        sem_g.at[j]).start()

            def drain_scatter(k):
                s = lax.rem(k, SLOTS)
                pltpu.make_async_copy(
                    rows_v.at[s], acc_sh.at[dstg_v.at[s]], sem_s.at[s]).wait()

            def block_body(b, _):
                s = lax.rem(b, SLOTS)
                pltpu.make_async_copy(
                    x_hbm.at[sstg_v.at[s]], rows_v.at[s], sem_g.at[s]).wait()
                pltpu.async_copy(rows_v.at[s], acc_sh.at[dstg_v.at[s]],
                                 sem_s.at[s], add=True)

                @pl.when(b + PREF < nblk)
                def _():
                    @pl.when(b >= SLOTS - PREF)
                    def _():
                        drain_scatter(b - (SLOTS - PREF))
                    sn = lax.rem(b + PREF, SLOTS)
                    stage_block(b + PREF, sn)
                    pltpu.make_async_copy(
                        x_hbm.at[sstg_v.at[sn]], rows_v.at[sn],
                        sem_g.at[sn]).start()
                return 0

            lax.fori_loop(0, nblk, block_body, 0)

            def drain_tail(k, _):
                drain_scatter(k)
                return 0
            lax.fori_loop(jnp.maximum(nblk - SLOTS, 0), nblk, drain_tail, 0)

        pl.run_scoped(phase_b, pltpu.VMEM((SLOTS, GBLK, d), jnp.float32))
        plsc.subcore_barrier()

        pltpu.sync_copy(acc_sh.at[pl.ds(base, rows_per_tile)],
                        outp_hbm.at[cid, pl.ds(base, rows_per_tile)])

    return sc_kernel


def _tc_combine(partials, n, d, blk_rows):
    def body(p_ref, o_ref):
        o_ref[...] = p_ref[0] + p_ref[1]

    return pl.pallas_call(
        body,
        grid=(n // blk_rows,),
        in_specs=[pl.BlockSpec((NC, blk_rows, d), lambda i: (0, i, 0))],
        out_specs=pl.BlockSpec((blk_rows, d), lambda i: (i, 0)),
        out_shape=jax.ShapeDtypeStruct((n, d), jnp.float32),
    )(partials)


def kernel(x, edge_index, node_mask_logit):
    n, d = x.shape
    e = edge_index.shape[1]

    hard_mask = _hard_mask(node_mask_logit, n, x.dtype)

    n_bits = -(-(n + 1) // 32) * 32
    n_words = -(-(n_bits // 32) // 16) * 16
    rows_per_tile = -(-(n + NS) // NS // 8) * 8
    acc_rows = rows_per_tile * NS

    ei = edge_index
    if e % (NW * 128) != 0:
        pad = NW * 128 - e % (NW * 128)
        ei = jnp.concatenate(
            [ei, jnp.broadcast_to(jnp.array([[0], [n]], jnp.int32),
                                  (2, pad))], axis=1)
        e += pad
    ept = e // NW
    ei = ei.reshape(2, NW, ept)

    bits = jnp.concatenate(
        [(hard_mask > 0.5).astype(jnp.uint32),
         jnp.zeros((n_words * 32 - n,), jnp.uint32)])
    words = (bits.reshape(n_words, 32) << jnp.arange(32, dtype=jnp.uint32)
             ).sum(axis=1, dtype=jnp.uint32).view(jnp.int32)

    sc = _make_sc_kernel(n, d, ept, n_words, acc_rows, rows_per_tile)
    partials = sc(words, ei, x)

    blk_rows = 2000 if n % 2000 == 0 else 8
    return _tc_combine(partials, n, d, blk_rows)

# --- scband reference (transcript-rebuilt; emitter-appended) ---
"""Pipeline reference for scband-graph-explainer-25486335935241 (READ-ONLY COPY).

The authoritative reference and input builder live on the scoring server;
editing this copy changes nothing except your own understanding.
"""

import jax, jax.numpy as jnp
import numpy as np


def _gumbel_softmax_hard(logits, key, tau=1.0):
    # Straight-through Gumbel-Softmax along axis 0, matching F.gumbel_softmax(hard=True, dim=0)
    u = jax.random.uniform(key, logits.shape, minval=1e-10, maxval=1.0)
    g = -jnp.log(-jnp.log(u))
    y_soft = jax.nn.softmax((logits + g) / tau, axis=0)
    idx = jnp.argmax(y_soft, axis=0)
    y_hard = jax.nn.one_hot(idx, logits.shape[0], axis=0, dtype=y_soft.dtype)
    return y_hard + y_soft - jax.lax.stop_gradient(y_soft)


def setup_inputs(seed: int = 0) -> dict:
    key = jax.random.key(seed)
    k1, k2, k3 = jax.random.split(key, 3)
    N, E, D = 10000, 320000, 128
    x = jax.random.normal(k1, (N, D), dtype=jnp.float32)
    edge_index = jax.random.randint(k2, (2, E), 0, N, dtype=jnp.int32)
    # kaiming_normal_ on a (1, N-1) tensor: std = sqrt(2 / fan_in), fan_in = N-1
    node_mask_logit = jax.random.normal(k3, (1, N - 1), dtype=jnp.float32) * np.sqrt(2.0 / (N - 1))
    return {"x": x, "edge_index": edge_index, "node_mask_logit": node_mask_logit}


def reference(x, edge_index, node_mask_logit):
    # Core of GraphExplainer's inner loop: node-mask -> hard gumbel mask -> lifted
    # edge mask -> masked message passing (what PyG MessagePassing does with __edge_mask__).
    N = x.shape[0]
    node_mask_p = jax.nn.sigmoid(node_mask_logit)                       # [1, N-1]
    logits = jnp.log(jnp.concatenate([node_mask_p, 1.0 - node_mask_p], axis=0))  # [2, N-1]
    y = _gumbel_softmax_hard(logits, jax.random.key(42))                # [2, N-1]
    hard_mask = jnp.concatenate([y[0], jnp.ones((1,), dtype=x.dtype)])  # [N]
    src = edge_index[0]
    dst = edge_index[1]
    src_lifted = hard_mask[src]
    dst_lifted = hard_mask[dst]
    edge_mask = src_lifted * dst_lifted                                 # [E]
    msgs = x[src] * edge_mask[:, None]                                  # gather + mask
    out = jax.ops.segment_sum(msgs, dst, num_segments=N)                # scatter-add aggregation
    return out

if __name__ == "__main__":
    import jax
    _d = setup_inputs()
    print(jax.jit(kernel)(*tuple(_d.values())))

</pallas_src>

<mosaic_0001>
#map = affine_map<(d0, d1) -> (0)>
#map1 = affine_map<(d0, d1) -> (0, 0, 0)>
#map2 = affine_map<(d0, d1) -> (0, 0)>
module attributes {stable_mosaic.version = 14 : i64} {
  func.func @sc_kernel(%arg0: i32, %arg1: i32, %arg2: memref<320xi32, #tpu.memory_space<hbm>>, %arg3: memref<2x32x10112xi32, #tpu.memory_space<hbm>>, %arg4: memref<10000x128xf32, #tpu.memory_space<hbm>>, %arg5: memref<2x10112x128xf32, #tpu.memory_space<hbm>>, %arg6: memref<320xi32, #tpu.memory_space<vmem>>, %arg7: memref<10240xi32, #tpu.memory_space<vmem>>, %arg8: memref<8x32xi32, #tpu.memory_space<vmem>>, %arg9: memref<8x32xi32, #tpu.memory_space<vmem>>, %arg10: memref<8x128xf32, #tpu.memory_space<vmem>>, %arg11: memref<10112x128xf32, #tpu.memory_space<vmem_shared>>, %arg12: memref<8x!tpu.dma_semaphore, #tpu.memory_space<semaphore_mem>>, %arg13: memref<8x!tpu.dma_semaphore, #tpu.memory_space<semaphore_mem>>) attributes {dimension_semantics = [#tpu.dimension_semantics<core_parallel>, #tpu.dimension_semantics<subcore_parallel>], iteration_bounds = array<i64: 2, 16>, scalar_prefetch = 0 : i64, scratch_operands = 8 : i64, tpu.core_type = #tpu.core_type<sc_vector_subcore>, window_params = [{transform_indices = #map}, {transform_indices = #map1}, {transform_indices = #map2}, {transform_indices = #map1}]} {
    %mul3A = arith.constant 2 : i32
    %mul3A_0 = arith.muli %arg1, %mul3A : i32
    %add3A = arith.addi %mul3A_0, %arg0 : i32
    %add3A_1 = arith.constant 10000 : i32
    %add3A_2 = arith.addi %add3A_1, %arg1 : i32
    "tpu.region"() ({
      %run_scoped3A_330 = tpu.sem_alloc : memref<!tpu.dma_semaphore, #tpu.memory_space<semaphore_mem>>
      tpu.enqueue_dma source(%arg2 : memref<320xi32, #tpu.memory_space<hbm>>) target(%arg6 : memref<320xi32, #tpu.memory_space<vmem>>) target_semaphore(%run_scoped3A_330 : memref<!tpu.dma_semaphore, #tpu.memory_space<semaphore_mem>>)
      tpu.wait_dma2 semaphore(%run_scoped3A_330 : memref<!tpu.dma_semaphore, #tpu.memory_space<semaphore_mem>>) src(%arg2 : memref<320xi32, #tpu.memory_space<hbm>>) dst(%arg6 : memref<320xi32, #tpu.memory_space<vmem>>)
      tpu.yield
    }) : () -> ()
    %broadcast_in_dim3A = arith.constant 0.000000e+00 : f32
    %broadcast_in_dim3A_3 = vector.broadcast %broadcast_in_dim3A : f32 to vector<16xf32>
    %swap3A = arith.constant 0 : i32
    %swap3A_4 = arith.index_cast %swap3A : i32 to index
    %swap3A_5 = arith.constant 0 : index
    %swap3A_6 = tpu.vector_load %arg10[%swap3A_4, %swap3A_5] {strides = array<i32>} : memref<8x128xf32, #tpu.memory_space<vmem>>, vector<16xf32>,
    tpu.vector_store %arg10[%swap3A_4, %swap3A_5], %broadcast_in_dim3A_3 {strides = array<i32>} : memref<8x128xf32, #tpu.memory_space<vmem>>, vector<16xf32>,
    %swap3A_7 = arith.constant 0 : i32
    %swap3A_8 = arith.index_cast %swap3A_7 : i32 to index
    %swap3A_9 = arith.constant 16 : index
    %swap3A_10 = tpu.vector_load %arg10[%swap3A_8, %swap3A_9] {strides = array<i32>} : memref<8x128xf32, #tpu.memory_space<vmem>>, vector<16xf32>,
    tpu.vector_store %arg10[%swap3A_8, %swap3A_9], %broadcast_in_dim3A_3 {strides = array<i32>} : memref<8x128xf32, #tpu.memory_space<vmem>>, vector<16xf32>,
    %swap3A_11 = arith.constant 0 : i32
    %swap3A_12 = arith.index_cast %swap3A_11 : i32 to index
    %swap3A_13 = arith.constant 32 : index
    %swap3A_14 = tpu.vector_load %arg10[%swap3A_12, %swap3A_13] {strides = array<i32>} : memref<8x128xf32, #tpu.memory_space<vmem>>, vector<16xf32>,
    tpu.vector_store %arg10[%swap3A_12, %swap3A_13], %broadcast_in_dim3A_3 {strides = array<i32>} : memref<8x128xf32, #tpu.memory_space<vmem>>, vector<16xf32>,
    %swap3A_15 = arith.constant 0 : i32
    %swap3A_16 = arith.index_cast %swap3A_15 : i32 to index
    %swap3A_17 = arith.constant 48 : index
    %swap3A_18 = tpu.vector_load %arg10[%swap3A_16, %swap3A_17] {strides = array<i32>} : memref<8x128xf32, #tpu.memory_space<vmem>>, vector<16xf32>,
    tpu.vector_store %arg10[%swap3A_16, %swap3A_17], %broadcast_in_dim3A_3 {strides = array<i32>} : memref<8x128xf32, #tpu.memory_space<vmem>>, vector<16xf32>,
    %swap3A_19 = arith.constant 0 : i32
    %swap3A_20 = arith.index_cast %swap3A_19 : i32 to index
    %swap3A_21 = arith.constant 64 : index
    %swap3A_22 = tpu.vector_load %arg10[%swap3A_20, %swap3A_21] {strides = array<i32>} : memref<8x128xf32, #tpu.memory_space<vmem>>, vector<16xf32>,
    tpu.vector_store %arg10[%swap3A_20, %swap3A_21], %broadcast_in_dim3A_3 {strides = array<i32>} : memref<8x128xf32, #tpu.memory_space<vmem>>, vector<16xf32>,
    %swap3A_23 = arith.constant 0 : i32
    %swap3A_24 = arith.index_cast %swap3A_23 : i32 to index
    %swap3A_25 = arith.constant 80 : index
    %swap3A_26 = tpu.vector_load %arg10[%swap3A_24, %swap3A_25] {strides = array<i32>} : memref<8x128xf32, #tpu.memory_space<vmem>>, vector<16xf32>,
    tpu.vector_store %arg10[%swap3A_24, %swap3A_25], %broadcast_in_dim3A_3 {strides = array<i32>} : memref<8x128xf32, #tpu.memory_space<vmem>>, vector<16xf32>,
    %swap3A_27 = arith.constant 0 : i32
    %swap3A_28 = arith.index_cast %swap3A_27 : i32 to index
    %swap3A_29 = arith.constant 96 : index
    %swap3A_30 = tpu.vector_load %arg10[%swap3A_28, %swap3A_29] {strides = array<i32>} : memref<8x128xf32, #tpu.memory_space<vmem>>, vector<16xf32>,
    tpu.vector_store %arg10[%swap3A_28, %swap3A_29], %broadcast_in_dim3A_3 {strides = array<i32>} : memref<8x128xf32, #tpu.memory_space<vmem>>, vector<16xf32>,
    %swap3A_31 = arith.constant 0 : i32
    %swap3A_32 = arith.index_cast %swap3A_31 : i32 to index
    %swap3A_33 = arith.constant 112 : index
    %swap3A_34 = tpu.vector_load %arg10[%swap3A_32, %swap3A_33] {strides = array<i32>} : memref<8x128xf32, #tpu.memory_space<vmem>>, vector<16xf32>,
    tpu.vector_store %arg10[%swap3A_32, %swap3A_33], %broadcast_in_dim3A_3 {strides = array<i32>} : memref<8x128xf32, #tpu.memory_space<vmem>>, vector<16xf32>,
    %swap3A_35 = arith.constant 1 : i32
    %swap3A_36 = arith.index_cast %swap3A_35 : i32 to index
    %swap3A_37 = arith.constant 0 : index
    %swap3A_38 = tpu.vector_load %arg10[%swap3A_36, %swap3A_37] {strides = array<i32>} : memref<8x128xf32, #tpu.memory_space<vmem>>, vector<16xf32>,
    tpu.vector_store %arg10[%swap3A_36, %swap3A_37], %broadcast_in_dim3A_3 {strides = array<i32>} : memref<8x128xf32, #tpu.memory_space<vmem>>, vector<16xf32>,
    %swap3A_39 = arith.constant 1 : i32
    %swap3A_40 = arith.index_cast %swap3A_39 : i32 to index
    %swap3A_41 = arith.constant 16 : index
    %swap3A_42 = tpu.vector_load %arg10[%swap3A_40, %swap3A_41] {strides = array<i32>} : memref<8x128xf32, #tpu.memory_space<vmem>>, vector<16xf32>,
    tpu.vector_store %arg10[%swap3A_40, %swap3A_41], %broadcast_in_dim3A_3 {strides = array<i32>} : memref<8x128xf32, #tpu.memory_space<vmem>>, vector<16xf32>,
    %swap3A_43 = arith.constant 1 : i32
    %swap3A_44 = arith.index_cast %swap3A_43 : i32 to index
    %swap3A_45 = arith.constant 32 : index
    %swap3A_46 = tpu.vector_load %arg10[%swap3A_44, %swap3A_45] {strides = array<i32>} : memref<8x128xf32, #tpu.memory_space<vmem>>, vector<16xf32>,
    tpu.vector_store %arg10[%swap3A_44, %swap3A_45], %broadcast_in_dim3A_3 {strides = array<i32>} : memref<8x128xf32, #tpu.memory_space<vmem>>, vector<16xf32>,
    %swap3A_47 = arith.constant 1 : i32
    %swap3A_48 = arith.index_cast %swap3A_47 : i32 to index
    %swap3A_49 = arith.constant 48 : index
    %swap3A_50 = tpu.vector_load %arg10[%swap3A_48, %swap3A_49] {strides = array<i32>} : memref<8x128xf32, #tpu.memory_space<vmem>>, vector<16xf32>,
    tpu.vector_store %arg10[%swap3A_48, %swap3A_49], %broadcast_in_dim3A_3 {strides = array<i32>} : memref<8x128xf32, #tpu.memory_space<vmem>>, vector<16xf32>,
    %swap3A_51 = arith.constant 1 : i32
    %swap3A_52 = arith.index_cast %swap3A_51 : i32 to index
    %swap3A_53 = arith.constant 64 : index
    %swap3A_54 = tpu.vector_load %arg10[%swap3A_52, %swap3A_53] {strides = array<i32>} : memref<8x128xf32, #tpu.memory_space<vmem>>, vector<16xf32>,
    tpu.vector_store %arg10[%swap3A_52, %swap3A_53], %broadcast_in_dim3A_3 {strides = array<i32>} : memref<8x128xf32, #tpu.memory_space<vmem>>, vector<16xf32>,
    %swap3A_55 = arith.constant 1 : i32
    %swap3A_56 = arith.index_cast %swap3A_55 : i32 to index
    %swap3A_57 = arith.constant 80 : index
    %swap3A_58 = tpu.vector_load %arg10[%swap3A_56, %swap3A_57] {strides = array<i32>} : memref<8x128xf32, #tpu.memory_space<vmem>>, vector<16xf32>,
    tpu.vector_store %arg10[%swap3A_56, %swap3A_57], %broadcast_in_dim3A_3 {strides = array<i32>} : memref<8x128xf32, #tpu.memory_space<vmem>>, vector<16xf32>,
    %swap3A_59 = arith.constant 1 : i32
    %swap3A_60 = arith.index_cast %swap3A_59 : i32 to index
    %swap3A_61 = arith.constant 96 : index
    %swap3A_62 = tpu.vector_load %arg10[%swap3A_60, %swap3A_61] {strides = array<i32>} : memref<8x128xf32, #tpu.memory_space<vmem>>, vector<16xf32>,
    tpu.vector_store %arg10[%swap3A_60, %swap3A_61], %broadcast_in_dim3A_3 {strides = array<i32>} : memref<8x128xf32, #tpu.memory_space<vmem>>, vector<16xf32>,
    %swap3A_63 = arith.constant 1 : i32
    %swap3A_64 = arith.index_cast %swap3A_63 : i32 to index
    %swap3A_65 = arith.constant 112 : index
    %swap3A_66 = tpu.vector_load %arg10[%swap3A_64, %swap3A_65] {strides = array<i32>} : memref<8x128xf32, #tpu.memory_space<vmem>>, vector<16xf32>,
    tpu.vector_store %arg10[%swap3A_64, %swap3A_65], %broadcast_in_dim3A_3 {strides = array<i32>} : memref<8x128xf32, #tpu.memory_space<vmem>>, vector<16xf32>,
    %swap3A_67 = arith.constant 2 : i32
    %swap3A_68 = arith.index_cast %swap3A_67 : i32 to index
    %swap3A_69 = arith.constant 0 : index
    %swap3A_70 = tpu.vector_load %arg10[%swap3A_68, %swap3A_69] {strides = array<i32>} : memref<8x128xf32, #tpu.memory_space<vmem>>, vector<16xf32>,
    tpu.vector_store %arg10[%swap3A_68, %swap3A_69], %broadcast_in_dim3A_3 {strides = array<i32>} : memref<8x128xf32, #tpu.memory_space<vmem>>, vector<16xf32>,
    %swap3A_71 = arith.constant 2 : i32
    %swap3A_72 = arith.index_cast %swap3A_71 : i32 to index
    %swap3A_73 = arith.constant 16 : index
    %swap3A_74 = tpu.vector_load %arg10[%swap3A_72, %swap3A_73] {strides = array<i32>} : memref<8x128xf32, #tpu.memory_space<vmem>>, vector<16xf32>,
    tpu.vector_store %arg10[%swap3A_72, %swap3A_73], %broadcast_in_dim3A_3 {strides = array<i32>} : memref<8x128xf32, #tpu.memory_space<vmem>>, vector<16xf32>,
    %swap3A_75 = arith.constant 2 : i32
    %swap3A_76 = arith.index_cast %swap3A_75 : i32 to index
    %swap3A_77 = arith.constant 32 : index
    %swap3A_78 = tpu.vector_load %arg10[%swap3A_76, %swap3A_77] {strides = array<i32>} : memref<8x128xf32, #tpu.memory_space<vmem>>, vector<16xf32>,
    tpu.vector_store %arg10[%swap3A_76, %swap3A_77], %broadcast_in_dim3A_3 {strides = array<i32>} : memref<8x128xf32, #tpu.memory_space<vmem>>, vector<16xf32>,
    %swap3A_79 = arith.constant 2 : i32
    %swap3A_80 = arith.index_cast %swap3A_79 : i32 to index
    %swap3A_81 = arith.constant 48 : index
    %swap3A_82 = tpu.vector_load %arg10[%swap3A_80, %swap3A_81] {strides = array<i32>} : memref<8x128xf32, #tpu.memory_space<vmem>>, vector<16xf32>,
    tpu.vector_store %arg10[%swap3A_80, %swap3A_81], %broadcast_in_dim3A_3 {strides = array<i32>} : memref<8x128xf32, #tpu.memory_space<vmem>>, vector<16xf32>,
    %swap3A_83 = arith.constant 2 : i32
    %swap3A_84 = arith.index_cast %swap3A_83 : i32 to index
    %swap3A_85 = arith.constant 64 : index
    %swap3A_86 = tpu.vector_load %arg10[%swap3A_84, %swap3A_85] {strides = array<i32>} : memref<8x128xf32, #tpu.memory_space<vmem>>, vector<16xf32>,
    tpu.vector_store %arg10[%swap3A_84, %swap3A_85], %broadcast_in_dim3A_3 {strides = array<i32>} : memref<8x128xf32, #tpu.memory_space<vmem>>, vector<16xf32>,
    %swap3A_87 = arith.constant 2 : i32
    %swap3A_88 = arith.index_cast %swap3A_87 : i32 to index
    %swap3A_89 = arith.constant 80 : index
    %swap3A_90 = tpu.vector_load %arg10[%swap3A_88, %swap3A_89] {strides = array<i32>} : memref<8x128xf32, #tpu.memory_space<vmem>>, vector<16xf32>,
    tpu.vector_store %arg10[%swap3A_88, %swap3A_89], %broadcast_in_dim3A_3 {strides = array<i32>} : memref<8x128xf32, #tpu.memory_space<vmem>>, vector<16xf32>,
    %swap3A_91 = arith.constant 2 : i32
    %swap3A_92 = arith.index_cast %swap3A_91 : i32 to index
    %swap3A_93 = arith.constant 96 : index
    %swap3A_94 = tpu.vector_load %arg10[%swap3A_92, %swap3A_93] {strides = array<i32>} : memref<8x128xf32, #tpu.memory_space<vmem>>, vector<16xf32>,
    tpu.vector_store %arg10[%swap3A_92, %swap3A_93], %broadcast_in_dim3A_3 {strides = array<i32>} : memref<8x128xf32, #tpu.memory_space<vmem>>, vector<16xf32>,
    %swap3A_95 = arith.constant 2 : i32
    %swap3A_96 = arith.index_cast %swap3A_95 : i32 to index
    %swap3A_97 = arith.constant 112 : index
    %swap3A_98 = tpu.vector_load %arg10[%swap3A_96, %swap3A_97] {strides = array<i32>} : memref<8x128xf32, #tpu.memory_space<vmem>>, vector<16xf32>,
    tpu.vector_store %arg10[%swap3A_96, %swap3A_97], %broadcast_in_dim3A_3 {strides = array<i32>} : memref<8x128xf32, #tpu.memory_space<vmem>>, vector<16xf32>,
    %swap3A_99 = arith.constant 3 : i32
    %swap3A_100 = arith.index_cast %swap3A_99 : i32 to index
    %swap3A_101 = arith.constant 0 : index
    %swap3A_102 = tpu.vector_load %arg10[%swap3A_100, %swap3A_101] {strides = array<i32>} : memref<8x128xf32, #tpu.memory_space<vmem>>, vector<16xf32>,
    tpu.vector_store %arg10[%swap3A_100, %swap3A_101], %broadcast_in_dim3A_3 {strides = array<i32>} : memref<8x128xf32, #tpu.memory_space<vmem>>, vector<16xf32>,
    %swap3A_103 = arith.constant 3 : i32
    %swap3A_104 = arith.index_cast %swap3A_103 : i32 to index
    %swap3A_105 = arith.constant 16 : index
    %swap3A_106 = tpu.vector_load %arg10[%swap3A_104, %swap3A_105] {strides = array<i32>} : memref<8x128xf32, #tpu.memory_space<vmem>>, vector<16xf32>,
    tpu.vector_store %arg10[%swap3A_104, %swap3A_105], %broadcast_in_dim3A_3 {strides = array<i32>} : memref<8x128xf32, #tpu.memory_space<vmem>>, vector<16xf32>,
    %swap3A_107 = arith.constant 3 : i32
    %swap3A_108 = arith.index_cast %swap3A_107 : i32 to index
    %swap3A_109 = arith.constant 32 : index
    %swap3A_110 = tpu.vector_load %arg10[%swap3A_108, %swap3A_109] {strides = array<i32>} : memref<8x128xf32, #tpu.memory_space<vmem>>, vector<16xf32>,
    tpu.vector_store %arg10[%swap3A_108, %swap3A_109], %broadcast_in_dim3A_3 {strides = array<i32>} : memref<8x128xf32, #tpu.memory_space<vmem>>, vector<16xf32>,
    %swap3A_111 = arith.constant 3 : i32
    %swap3A_112 = arith.index_cast %swap3A_111 : i32 to index
    %swap3A_113 = arith.constant 48 : index
    %swap3A_114 = tpu.vector_load %arg10[%swap3A_112, %swap3A_113] {strides = array<i32>} : memref<8x128xf32, #tpu.memory_space<vmem>>, vector<16xf32>,
    tpu.vector_store %arg10[%swap3A_112, %swap3A_113], %broadcast_in_dim3A_3 {strides = array<i32>} : memref<8x128xf32, #tpu.memory_space<vmem>>, vector<16xf32>,
    %swap3A_115 = arith.constant 3 : i32
    %swap3A_116 = arith.index_cast %swap3A_115 : i32 to index
    %swap3A_117 = arith.constant 64 : index
    %swap3A_118 = tpu.vector_load %arg10[%swap3A_116, %swap3A_117] {strides = array<i32>} : memref<8x128xf32, #tpu.memory_space<vmem>>, vector<16xf32>,
    tpu.vector_store %arg10[%swap3A_116, %swap3A_117], %broadcast_in_dim3A_3 {strides = array<i32>} : memref<8x128xf32, #tpu.memory_space<vmem>>, vector<16xf32>,
    %swap3A_119 = arith.constant 3 : i32
    %swap3A_120 = arith.index_cast %swap3A_119 : i32 to index
    %swap3A_121 = arith.constant 80 : index
    %swap3A_122 = tpu.vector_load %arg10[%swap3A_120, %swap3A_121] {strides = array<i32>} : memref<8x128xf32, #tpu.memory_space<vmem>>, vector<16xf32>,
    tpu.vector_store %arg10[%swap3A_120, %swap3A_121], %broadcast_in_dim3A_3 {strides = array<i32>} : memref<8x128xf32, #tpu.memory_space<vmem>>, vector<16xf32>,
    %swap3A_123 = arith.constant 3 : i32
    %swap3A_124 = arith.index_cast %swap3A_123 : i32 to index
    %swap3A_125 = arith.constant 96 : index
    %swap3A_126 = tpu.vector_load %arg10[%swap3A_124, %swap3A_125] {strides = array<i32>} : memref<8x128xf32, #tpu.memory_space<vmem>>, vector<16xf32>,
    tpu.vector_store %arg10[%swap3A_124, %swap3A_125], %broadcast_in_dim3A_3 {strides = array<i32>} : memref<8x128xf32, #tpu.memory_space<vmem>>, vector<16xf32>,
    %swap3A_127 = arith.constant 3 : i32
    %swap3A_128 = arith.index_cast %swap3A_127 : i32 to index
    %swap3A_129 = arith.constant 112 : index
    %swap3A_130 = tpu.vector_load %arg10[%swap3A_128, %swap3A_129] {strides = array<i32>} : memref<8x128xf32, #tpu.memory_space<vmem>>, vector<16xf32>,
    tpu.vector_store %arg10[%swap3A_128, %swap3A_129], %broadcast_in_dim3A_3 {strides = array<i32>} : memref<8x128xf32, #tpu.memory_space<vmem>>, vector<16xf32>,
    %swap3A_131 = arith.constant 4 : i32
    %swap3A_132 = arith.index_cast %swap3A_131 : i32 to index
    %swap3A_133 = arith.constant 0 : index
    %swap3A_134 = tpu.vector_load %arg10[%swap3A_132, %swap3A_133] {strides = array<i32>} : memref<8x128xf32, #tpu.memory_space<vmem>>, vector<16xf32>,
    tpu.vector_store %arg10[%swap3A_132, %swap3A_133], %broadcast_in_dim3A_3 {strides = array<i32>} : memref<8x128xf32, #tpu.memory_space<vmem>>, vector<16xf32>,
    %swap3A_135 = arith.constant 4 : i32
    %swap3A_136 = arith.index_cast %swap3A_135 : i32 to index
    %swap3A_137 = arith.constant 16 : index
    %swap3A_138 = tpu.vector_load %arg10[%swap3A_136, %swap3A_137] {strides = array<i32>} : memref<8x128xf32, #tpu.memory_space<vmem>>, vector<16xf32>,
    tpu.vector_store %arg10[%swap3A_136, %swap3A_137], %broadcast_in_dim3A_3 {strides = array<i32>} : memref<8x128xf32, #tpu.memory_space<vmem>>, vector<16xf32>,
    %swap3A_139 = arith.constant 4 : i32
    %swap3A_140 = arith.index_cast %swap3A_139 : i32 to index
    %swap3A_141 = arith.constant 32 : index
    %swap3A_142 = tpu.vector_load %arg10[%swap3A_140, %swap3A_141] {strides = array<i32>} : memref<8x128xf32, #tpu.memory_space<vmem>>, vector<16xf32>,
    tpu.vector_store %arg10[%swap3A_140, %swap3A_141], %broadcast_in_dim3A_3 {strides = array<i32>} : memref<8x128xf32, #tpu.memory_space<vmem>>, vector<16xf32>,
    %swap3A_143 = arith.constant 4 : i32
    %swap3A_144 = arith.index_cast %swap3A_143 : i32 to index
    %swap3A_145 = arith.constant 48 : index
    %swap3A_146 = tpu.vector_load %arg10[%swap3A_144, %swap3A_145] {strides = array<i32>} : memref<8x128xf32, #tpu.memory_space<vmem>>, vector<16xf32>,
    tpu.vector_store %arg10[%swap3A_144, %swap3A_145], %broadcast_in_dim3A_3 {strides = array<i32>} : memref<8x128xf32, #tpu.memory_space<vmem>>, vector<16xf32>,
    %swap3A_147 = arith.constant 4 : i32
    %swap3A_148 = arith.index_cast %swap3A_147 : i32 to index
    %swap3A_149 = arith.constant 64 : index
    %swap3A_150 = tpu.vector_load %arg10[%swap3A_148, %swap3A_149] {strides = array<i32>} : memref<8x128xf32, #tpu.memory_space<vmem>>, vector<16xf32>,
    tpu.vector_store %arg10[%swap3A_148, %swap3A_149], %broadcast_in_dim3A_3 {strides = array<i32>} : memref<8x128xf32, #tpu.memory_space<vmem>>, vector<16xf32>,
    %swap3A_151 = arith.constant 4 : i32
    %swap3A_152 = arith.index_cast %swap3A_151 : i32 to index
    %swap3A_153 = arith.constant 80 : index
    %swap3A_154 = tpu.vector_load %arg10[%swap3A_152, %swap3A_153] {strides = array<i32>} : memref<8x128xf32, #tpu.memory_space<vmem>>, vector<16xf32>,
    tpu.vector_store %arg10[%swap3A_152, %swap3A_153], %broadcast_in_dim3A_3 {strides = array<i32>} : memref<8x128xf32, #tpu.memory_space<vmem>>, vector<16xf32>,
    %swap3A_155 = arith.constant 4 : i32
    %swap3A_156 = arith.index_cast %swap3A_155 : i32 to index
    %swap3A_157 = arith.constant 96 : index
    %swap3A_158 = tpu.vector_load %arg10[%swap3A_156, %swap3A_157] {strides = array<i32>} : memref<8x128xf32, #tpu.memory_space<vmem>>, vector<16xf32>,
    tpu.vector_store %arg10[%swap3A_156, %swap3A_157], %broadcast_in_dim3A_3 {strides = array<i32>} : memref<8x128xf32, #tpu.memory_space<vmem>>, vector<16xf32>,
    %swap3A_159 = arith.constant 4 : i32
    %swap3A_160 = arith.index_cast %swap3A_159 : i32 to index
    %swap3A_161 = arith.constant 112 : index
    %swap3A_162 = tpu.vector_load %arg10[%swap3A_160, %swap3A_161] {strides = array<i32>} : memref<8x128xf32, #tpu.memory_space<vmem>>, vector<16xf32>,
    tpu.vector_store %arg10[%swap3A_160, %swap3A_161], %broadcast_in_dim3A_3 {strides = array<i32>} : memref<8x128xf32, #tpu.memory_space<vmem>>, vector<16xf32>,
    %swap3A_163 = arith.constant 5 : i32
    %swap3A_164 = arith.index_cast %swap3A_163 : i32 to index
    %swap3A_165 = arith.constant 0 : index
    %swap3A_166 = tpu.vector_load %arg10[%swap3A_164, %swap3A_165] {strides = array<i32>} : memref<8x128xf32, #tpu.memory_space<vmem>>, vector<16xf32>,
    tpu.vector_store %arg10[%swap3A_164, %swap3A_165], %broadcast_in_dim3A_3 {strides = array<i32>} : memref<8x128xf32, #tpu.memory_space<vmem>>, vector<16xf32>,
    %swap3A_167 = arith.constant 5 : i32
    %swap3A_168 = arith.index_cast %swap3A_167 : i32 to index
    %swap3A_169 = arith.constant 16 : index
    %swap3A_170 = tpu.vector_load %arg10[%swap3A_168, %swap3A_169] {strides = array<i32>} : memref<8x128xf32, #tpu.memory_space<vmem>>, vector<16xf32>,
    tpu.vector_store %arg10[%swap3A_168, %swap3A_169], %broadcast_in_dim3A_3 {strides = array<i32>} : memref<8x128xf32, #tpu.memory_space<vmem>>, vector<16xf32>,
    %swap3A_171 = arith.constant 5 : i32
    %swap3A_172 = arith.index_cast %swap3A_171 : i32 to index
    %swap3A_173 = arith.constant 32 : index
    %swap3A_174 = tpu.vector_load %arg10[%swap3A_172, %swap3A_173] {strides = array<i32>} : memref<8x128xf32, #tpu.memory_space<vmem>>, vector<16xf32>,
    tpu.vector_store %arg10[%swap3A_172, %swap3A_173], %broadcast_in_dim3A_3 {strides = array<i32>} : memref<8x128xf32, #tpu.memory_space<vmem>>, vector<16xf32>,
    %swap3A_175 = arith.constant 5 : i32
    %swap3A_176 = arith.index_cast %swap3A_175 : i32 to index
    %swap3A_177 = arith.constant 48 : index
    %swap3A_178 = tpu.vector_load %arg10[%swap3A_176, %swap3A_177] {strides = array<i32>} : memref<8x128xf32, #tpu.memory_space<vmem>>, vector<16xf32>,
    tpu.vector_store %arg10[%swap3A_176, %swap3A_177], %broadcast_in_dim3A_3 {strides = array<i32>} : memref<8x128xf32, #tpu.memory_space<vmem>>, vector<16xf32>,
    %swap3A_179 = arith.constant 5 : i32
    %swap3A_180 = arith.index_cast %swap3A_179 : i32 to index
    %swap3A_181 = arith.constant 64 : index
    %swap3A_182 = tpu.vector_load %arg10[%swap3A_180, %swap3A_181] {strides = array<i32>} : memref<8x128xf32, #tpu.memory_space<vmem>>, vector<16xf32>,
    tpu.vector_store %arg10[%swap3A_180, %swap3A_181], %broadcast_in_dim3A_3 {strides = array<i32>} : memref<8x128xf32, #tpu.memory_space<vmem>>, vector<16xf32>,
    %swap3A_183 = arith.constant 5 : i32
    %swap3A_184 = arith.index_cast %swap3A_183 : i32 to index
    %swap3A_185 = arith.constant 80 : index
    %swap3A_186 = tpu.vector_load %arg10[%swap3A_184, %swap3A_185] {strides = array<i32>} : memref<8x128xf32, #tpu.memory_space<vmem>>, vector<16xf32>,
    tpu.vector_store %arg10[%swap3A_184, %swap3A_185], %broadcast_in_dim3A_3 {strides = array<i32>} : memref<8x128xf32, #tpu.memory_space<vmem>>, vector<16xf32>,
    %swap3A_187 = arith.constant 5 : i32
    %swap3A_188 = arith.index_cast %swap3A_187 : i32 to index
    %swap3A_189 = arith.constant 96 : index
    %swap3A_190 = tpu.vector_load %arg10[%swap3A_188, %swap3A_189] {strides = array<i32>} : memref<8x128xf32, #tpu.memory_space<vmem>>, vector<16xf32>,
    tpu.vector_store %arg10[%swap3A_188, %swap3A_189], %broadcast_in_dim3A_3 {strides = array<i32>} : memref<8x128xf32, #tpu.memory_space<vmem>>, vector<16xf32>,
    %swap3A_191 = arith.constant 5 : i32
    %swap3A_192 = arith.index_cast %swap3A_191 : i32 to index
    %swap3A_193 = arith.constant 112 : index
    %swap3A_194 = tpu.vector_load %arg10[%swap3A_192, %swap3A_193] {strides = array<i32>} : memref<8x128xf32, #tpu.memory_space<vmem>>, vector<16xf32>,
    tpu.vector_store %arg10[%swap3A_192, %swap3A_193], %broadcast_in_dim3A_3 {strides = array<i32>} : memref<8x128xf32, #tpu.memory_space<vmem>>, vector<16xf32>,
    %swap3A_195 = arith.constant 6 : i32
    %swap3A_196 = arith.index_cast %swap3A_195 : i32 to index
    %swap3A_197 = arith.constant 0 : index
    %swap3A_198 = tpu.vector_load %arg10[%swap3A_196, %swap3A_197] {strides = array<i32>} : memref<8x128xf32, #tpu.memory_space<vmem>>, vector<16xf32>,
    tpu.vector_store %arg10[%swap3A_196, %swap3A_197], %broadcast_in_dim3A_3 {strides = array<i32>} : memref<8x128xf32, #tpu.memory_space<vmem>>, vector<16xf32>,
    %swap3A_199 = arith.constant 6 : i32
    %swap3A_200 = arith.index_cast %swap3A_199 : i32 to index
    %swap3A_201 = arith.constant 16 : index
    %swap3A_202 = tpu.vector_load %arg10[%swap3A_200, %swap3A_201] {strides = array<i32>} : memref<8x128xf32, #tpu.memory_space<vmem>>, vector<16xf32>,
    tpu.vector_store %arg10[%swap3A_200, %swap3A_201], %broadcast_in_dim3A_3 {strides = array<i32>} : memref<8x128xf32, #tpu.memory_space<vmem>>, vector<16xf32>,
    %swap3A_203 = arith.constant 6 : i32
    %swap3A_204 = arith.index_cast %swap3A_203 : i32 to index
    %swap3A_205 = arith.constant 32 : index
    %swap3A_206 = tpu.vector_load %arg10[%swap3A_204, %swap3A_205] {strides = array<i32>} : memref<8x128xf32, #tpu.memory_space<vmem>>, vector<16xf32>,
    tpu.vector_store %arg10[%swap3A_204, %swap3A_205], %broadcast_in_dim3A_3 {strides = array<i32>} : memref<8x128xf32, #tpu.memory_space<vmem>>, vector<16xf32>,
    %swap3A_207 = arith.constant 6 : i32
    %swap3A_208 = arith.index_cast %swap3A_207 : i32 to index
    %swap3A_209 = arith.constant 48 : index
    %swap3A_210 = tpu.vector_load %arg10[%swap3A_208, %swap3A_209] {strides = array<i32>} : memref<8x128xf32, #tpu.memory_space<vmem>>, vector<16xf32>,
    tpu.vector_store %arg10[%swap3A_208, %swap3A_209], %broadcast_in_dim3A_3 {strides = array<i32>} : memref<8x128xf32, #tpu.memory_space<vmem>>, vector<16xf32>,
    %swap3A_211 = arith.constant 6 : i32
    %swap3A_212 = arith.index_cast %swap3A_211 : i32 to index
    %swap3A_213 = arith.constant 64 : index
    %swap3A_214 = tpu.vector_load %arg10[%swap3A_212, %swap3A_213] {strides = array<i32>} : memref<8x128xf32, #tpu.memory_space<vmem>>, vector<16xf32>,
    tpu.vector_store %arg10[%swap3A_212, %swap3A_213], %broadcast_in_dim3A_3 {strides = array<i32>} : memref<8x128xf32, #tpu.memory_space<vmem>>, vector<16xf32>,
    %swap3A_215 = arith.constant 6 : i32
    %swap3A_216 = arith.index_cast %swap3A_215 : i32 to index
    %swap3A_217 = arith.constant 80 : index
    %swap3A_218 = tpu.vector_load %arg10[%swap3A_216, %swap3A_217] {strides = array<i32>} : memref<8x128xf32, #tpu.memory_space<vmem>>, vector<16xf32>,
    tpu.vector_store %arg10[%swap3A_216, %swap3A_217], %broadcast_in_dim3A_3 {strides = array<i32>} : memref<8x128xf32, #tpu.memory_space<vmem>>, vector<16xf32>,
    %swap3A_219 = arith.constant 6 : i32
    %swap3A_220 = arith.index_cast %swap3A_219 : i32 to index
    %swap3A_221 = arith.constant 96 : index
    %swap3A_222 = tpu.vector_load %arg10[%swap3A_220, %swap3A_221] {strides = array<i32>} : memref<8x128xf32, #tpu.memory_space<vmem>>, vector<16xf32>,
    tpu.vector_store %arg10[%swap3A_220, %swap3A_221], %broadcast_in_dim3A_3 {strides = array<i32>} : memref<8x128xf32, #tpu.memory_space<vmem>>, vector<16xf32>,
    %swap3A_223 = arith.constant 6 : i32
    %swap3A_224 = arith.index_cast %swap3A_223 : i32 to index
    %swap3A_225 = arith.constant 112 : index
    %swap3A_226 = tpu.vector_load %arg10[%swap3A_224, %swap3A_225] {strides = array<i32>} : memref<8x128xf32, #tpu.memory_space<vmem>>, vector<16xf32>,
    tpu.vector_store %arg10[%swap3A_224, %swap3A_225], %broadcast_in_dim3A_3 {strides = array<i32>} : memref<8x128xf32, #tpu.memory_space<vmem>>, vector<16xf32>,
    %swap3A_227 = arith.constant 7 : i32
    %swap3A_228 = arith.index_cast %swap3A_227 : i32 to index
    %swap3A_229 = arith.constant 0 : index
    %swap3A_230 = tpu.vector_load %arg10[%swap3A_228, %swap3A_229] {strides = array<i32>} : memref<8x128xf32, #tpu.memory_space<vmem>>, vector<16xf32>,
    tpu.vector_store %arg10[%swap3A_228, %swap3A_229], %broadcast_in_dim3A_3 {strides = array<i32>} : memref<8x128xf32, #tpu.memory_space<vmem>>, vector<16xf32>,
    %swap3A_231 = arith.constant 7 : i32
    %swap3A_232 = arith.index_cast %swap3A_231 : i32 to index
    %swap3A_233 = arith.constant 16 : index
    %swap3A_234 = tpu.vector_load %arg10[%swap3A_232, %swap3A_233] {strides = array<i32>} : memref<8x128xf32, #tpu.memory_space<vmem>>, vector<16xf32>,
    tpu.vector_store %arg10[%swap3A_232, %swap3A_233], %broadcast_in_dim3A_3 {strides = array<i32>} : memref<8x128xf32, #tpu.memory_space<vmem>>, vector<16xf32>,
    %swap3A_235 = arith.constant 7 : i32
    %swap3A_236 = arith.index_cast %swap3A_235 : i32 to index
    %swap3A_237 = arith.constant 32 : index
    %swap3A_238 = tpu.vector_load %arg10[%swap3A_236, %swap3A_237] {strides = array<i32>} : memref<8x128xf32, #tpu.memory_space<vmem>>, vector<16xf32>,
    tpu.vector_store %arg10[%swap3A_236, %swap3A_237], %broadcast_in_dim3A_3 {strides = array<i32>} : memref<8x128xf32, #tpu.memory_space<vmem>>, vector<16xf32>,
    %swap3A_239 = arith.constant 7 : i32
    %swap3A_240 = arith.index_cast %swap3A_239 : i32 to index
    %swap3A_241 = arith.constant 48 : index
    %swap3A_242 = tpu.vector_load %arg10[%swap3A_240, %swap3A_241] {strides = array<i32>} : memref<8x128xf32, #tpu.memory_space<vmem>>, vector<16xf32>,
    tpu.vector_store %arg10[%swap3A_240, %swap3A_241], %broadcast_in_dim3A_3 {strides = array<i32>} : memref<8x128xf32, #tpu.memory_space<vmem>>, vector<16xf32>,
    %swap3A_243 = arith.constant 7 : i32
    %swap3A_244 = arith.index_cast %swap3A_243 : i32 to index
    %swap3A_245 = arith.constant 64 : index
    %swap3A_246 = tpu.vector_load %arg10[%swap3A_244, %swap3A_245] {strides = array<i32>} : memref<8x128xf32, #tpu.memory_space<vmem>>, vector<16xf32>,
    tpu.vector_store %arg10[%swap3A_244, %swap3A_245], %broadcast_in_dim3A_3 {strides = array<i32>} : memref<8x128xf32, #tpu.memory_space<vmem>>, vector<16xf32>,
    %swap3A_247 = arith.constant 7 : i32
    %swap3A_248 = arith.index_cast %swap3A_247 : i32 to index
    %swap3A_249 = arith.constant 80 : index
    %swap3A_250 = tpu.vector_load %arg10[%swap3A_248, %swap3A_249] {strides = array<i32>} : memref<8x128xf32, #tpu.memory_space<vmem>>, vector<16xf32>,
    tpu.vector_store %arg10[%swap3A_248, %swap3A_249], %broadcast_in_dim3A_3 {strides = array<i32>} : memref<8x128xf32, #tpu.memory_space<vmem>>, vector<16xf32>,
    %swap3A_251 = arith.constant 7 : i32
    %swap3A_252 = arith.index_cast %swap3A_251 : i32 to index
    %swap3A_253 = arith.constant 96 : index
    %swap3A_254 = tpu.vector_load %arg10[%swap3A_252, %swap3A_253] {strides = array<i32>} : memref<8x128xf32, #tpu.memory_space<vmem>>, vector<16xf32>,
    tpu.vector_store %arg10[%swap3A_252, %swap3A_253], %broadcast_in_dim3A_3 {strides = array<i32>} : memref<8x128xf32, #tpu.memory_space<vmem>>, vector<16xf32>,
    %swap3A_255 = arith.constant 7 : i32
    %swap3A_256 = arith.index_cast %swap3A_255 : i32 to index
    %swap3A_257 = arith.constant 112 : index
    %swap3A_258 = tpu.vector_load %arg10[%swap3A_256, %swap3A_257] {strides = array<i32>} : memref<8x128xf32, #tpu.memory_space<vmem>>, vector<16xf32>,
    tpu.vector_store %arg10[%swap3A_256, %swap3A_257], %broadcast_in_dim3A_3 {strides = array<i32>} : memref<8x128xf32, #tpu.memory_space<vmem>>, vector<16xf32>,
    %mul3A_259 = arith.constant 632 : i32
    %mul3A_260 = arith.muli %arg1, %mul3A_259 : i32
    %scan3A = arith.constant 0 : i32
    %scan3A_261 = arith.constant 0 : i32
    %scan3A_262 = arith.constant 79 : i32
    %scan3A_263 = arith.addi %scan3A_261, %scan3A_262 : i32
    %scan3A_264 = arith.constant 1 : i32
    %scan3A_265 = scf.for %scan3A_330 = %scan3A_261 to %scan3A_263 step %scan3A_264 iter_args(%scan3A_331 = %scan3A) -> (i32)  : i32 {
      %mul3A_332 = arith.constant 8 : i32
      %mul3A_333 = arith.muli %scan3A_330, %mul3A_332 : i32
      %add3A_334 = arith.addi %mul3A_260, %mul3A_333 : i32
      %dma_start3A = arith.constant 0 : i32
      %dma_start3A_335 = arith.constant 0 : i32
      %dma_start3A_336 = tpu.memref_slice %arg11[%add3A_334, %dma_start3A_335] : memref<10112x128xf32, #tpu.memory_space<vmem_shared>> -> memref<8x128xf32, #tpu.memory_space<vmem_shared>>
      %dma_start3A_337 = tpu.memref_slice %arg12[%dma_start3A] : memref<8x!tpu.dma_semaphore, #tpu.memory_space<semaphore_mem>> -> memref<1x!tpu.dma_semaphore, #tpu.memory_space<semaphore_mem>>
      %dma_start3A_338 = tpu.memref_squeeze %dma_start3A_337 : memref<1x!tpu.dma_semaphore, #tpu.memory_space<semaphore_mem>> -> memref<!tpu.dma_semaphore, #tpu.memory_space<semaphore_mem>>
      %dma_start3A_339 = arith.constant 0 : i32
      %dma_start3A_340 = tpu.memref_slice %arg11[%add3A_334, %dma_start3A_339] : memref<10112x128xf32, #tpu.memory_space<vmem_shared>> -> memref<8x128xf32, #tpu.memory_space<vmem_shared>>
      tpu.enqueue_dma source(%arg10 : memref<8x128xf32, #tpu.memory_space<vmem>>) target(%dma_start3A_340 : memref<8x128xf32, #tpu.memory_space<vmem_shared>>) target_semaphore(%dma_start3A_338 : memref<!tpu.dma_semaphore, #tpu.memory_space<semaphore_mem>>)
      %scan3A_341 = arith.constant 0 : i32
      scf.yield %scan3A_341 : i32
    }
    %scan3A_266 = arith.constant 79 : i32
    %run_scoped3A = "tpu.region"() ({
      %run_scoped3A_330 = memref.alloca() : memref<10112xi32, #tpu.memory_space<vmem>>
      %run_scoped3A_331 = arith.constant 0 : i32
      "tpu.region"() ({
        %run_scoped3A_340 = tpu.sem_alloc : memref<!tpu.dma_semaphore, #tpu.memory_space<semaphore_mem>>
        %dma_start3A = arith.constant 0 : i32
        %dma_start3A_341 = tpu.memref_slice %arg7[%dma_start3A] : memref<10240xi32, #tpu.memory_space<vmem>> -> memref<10112xi32, #tpu.memory_space<vmem>>
        %dma_start3A_342 = arith.constant 0 : i32
        %dma_start3A_343 = tpu.memref_slice %arg3[%run_scoped3A_331, %add3A, %dma_start3A_342] : memref<2x32x10112xi32, #tpu.memory_space<hbm>> -> memref<1x1x10112xi32, #tpu.memory_space<hbm>>
        %dma_start3A_344 = tpu.memref_squeeze %dma_start3A_343 : memref<1x1x10112xi32, #tpu.memory_space<hbm>> -> memref<10112xi32, #tpu.memory_space<hbm>>
        %dma_start3A_345 = arith.constant 0 : i32
        %dma_start3A_346 = tpu.memref_slice %arg7[%dma_start3A_345] : memref<10240xi32, #tpu.memory_space<vmem>> -> memref<10112xi32, #tpu.memory_space<vmem>>
        %dma_start3A_347 = arith.constant 0 : i32
        %dma_start3A_348 = tpu.memref_slice %arg3[%run_scoped3A_331, %add3A, %dma_start3A_347] : memref<2x32x10112xi32, #tpu.memory_space<hbm>> -> memref<1x1x10112xi32, #tpu.memory_space<hbm>>
        %dma_start3A_349 = tpu.memref_squeeze %dma_start3A_348 : memref<1x1x10112xi32, #tpu.memory_space<hbm>> -> memref<10112xi32, #tpu.memory_space<hbm>>
        tpu.enqueue_dma source(%dma_start3A_349 : memref<10112xi32, #tpu.memory_space<hbm>>) target(%dma_start3A_346 : memref<10112xi32, #tpu.memory_space<vmem>>) target_semaphore(%run_scoped3A_340 : memref<!tpu.dma_semaphore, #tpu.memory_space<semaphore_mem>>)
        %dma_wait3A = arith.constant 0 : i32
        %dma_wait3A_350 = tpu.memref_slice %arg7[%dma_wait3A] : memref<10240xi32, #tpu.memory_space<vmem>> -> memref<10112xi32, #tpu.memory_space<vmem>>
        %dma_wait3A_351 = arith.constant 0 : i32
        %dma_wait3A_352 = tpu.memref_slice %arg3[%run_scoped3A_331, %add3A, %dma_wait3A_351] : memref<2x32x10112xi32, #tpu.memory_space<hbm>> -> memref<1x1x10112xi32, #tpu.memory_space<hbm>>
        %dma_wait3A_353 = tpu.memref_squeeze %dma_wait3A_352 : memref<1x1x10112xi32, #tpu.memory_space<hbm>> -> memref<10112xi32, #tpu.memory_space<hbm>>
        %dma_wait3A_354 = arith.constant 0 : i32
        %dma_wait3A_355 = tpu.memref_slice %arg7[%dma_wait3A_354] : memref<10240xi32, #tpu.memory_space<vmem>> -> memref<10112xi32, #tpu.memory_space<vmem>>
        %dma_wait3A_356 = arith.constant 0 : i32
        %dma_wait3A_357 = tpu.memref_slice %arg3[%run_scoped3A_331, %add3A, %dma_wait3A_356] : memref<2x32x10112xi32, #tpu.memory_space<hbm>> -> memref<1x1x10112xi32, #tpu.memory_space<hbm>>
        %dma_wait3A_358 = tpu.memref_squeeze %dma_wait3A_357 : memref<1x1x10112xi32, #tpu.memory_space<hbm>> -> memref<10112xi32, #tpu.memory_space<hbm>>
        tpu.wait_dma2 semaphore(%run_scoped3A_340 : memref<!tpu.dma_semaphore, #tpu.memory_space<semaphore_mem>>) src(%dma_wait3A_358 : memref<10112xi32, #tpu.memory_space<hbm>>) dst(%dma_wait3A_355 : memref<10112xi32, #tpu.memory_space<vmem>>)
        tpu.yield
      }) : () -> ()
      %run_scoped3A_332 = arith.constant 1 : i32
      "tpu.region"() ({
        %run_scoped3A_340 = tpu.sem_alloc : memref<!tpu.dma_semaphore, #tpu.memory_space<semaphore_mem>>
        %dma_start3A = arith.constant 0 : i32
        %dma_start3A_341 = tpu.memref_slice %arg3[%run_scoped3A_332, %add3A, %dma_start3A] : memref<2x32x10112xi32, #tpu.memory_space<hbm>> -> memref<1x1x10112xi32, #tpu.memory_space<hbm>>
        %dma_start3A_342 = tpu.memref_squeeze %dma_start3A_341 : memref<1x1x10112xi32, #tpu.memory_space<hbm>> -> memref<10112xi32, #tpu.memory_space<hbm>>
        %dma_start3A_343 = arith.constant 0 : i32
        %dma_start3A_344 = tpu.memref_slice %arg3[%run_scoped3A_332, %add3A, %dma_start3A_343] : memref<2x32x10112xi32, #tpu.memory_space<hbm>> -> memref<1x1x10112xi32, #tpu.memory_space<hbm>>
        %dma_start3A_345 = tpu.memref_squeeze %dma_start3A_344 : memref<1x1x10112xi32, #tpu.memory_space<hbm>> -> memref<10112xi32, #tpu.memory_space<hbm>>
        tpu.enqueue_dma source(%dma_start3A_345 : memref<10112xi32, #tpu.memory_space<hbm>>) target(%run_scoped3A_330 : memref<10112xi32, #tpu.memory_space<vmem>>) target_semaphore(%run_scoped3A_340 : memref<!tpu.dma_semaphore, #tpu.memory_space<semaphore_mem>>)
        %dma_wait3A = arith.constant 0 : i32
        %dma_wait3A_346 = tpu.memref_slice %arg3[%run_scoped3A_332, %add3A, %dma_wait3A] : memref<2x32x10112xi32, #tpu.memory_space<hbm>> -> memref<1x1x10112xi32, #tpu.memory_space<hbm>>
        %dma_wait3A_347 = tpu.memref_squeeze %dma_wait3A_346 : memref<1x1x10112xi32, #tpu.memory_space<hbm>> -> memref<10112xi32, #tpu.memory_space<hbm>>
        %dma_wait3A_348 = arith.constant 0 : i32
        %dma_wait3A_349 = tpu.memref_slice %arg3[%run_scoped3A_332, %add3A, %dma_wait3A_348] : memref<2x32x10112xi32, #tpu.memory_space<hbm>> -> memref<1x1x10112xi32, #tpu.memory_space<hbm>>
        %dma_wait3A_350 = tpu.memref_squeeze %dma_wait3A_349 : memref<1x1x10112xi32, #tpu.memory_space<hbm>> -> memref<10112xi32, #tpu.memory_space<hbm>>
        tpu.wait_dma2 semaphore(%run_scoped3A_340 : memref<!tpu.dma_semaphore, #tpu.memory_space<semaphore_mem>>) src(%dma_wait3A_350 : memref<10112xi32, #tpu.memory_space<hbm>>) dst(%run_scoped3A_330 : memref<10112xi32, #tpu.memory_space<vmem>>)
        tpu.yield
      }) : () -> ()
      %scan3A_333 = arith.constant 0 : i32
      %scan3A_334 = arith.constant 0 : i32
      %scan3A_335 = arith.constant 632 : i32
      %scan3A_336 = arith.addi %scan3A_334, %scan3A_335 : i32
      %scan3A_337 = arith.constant 8 : i32
      %scan3A_338 = scf.for %scan3A_340 = %scan3A_334 to %scan3A_336 step %scan3A_337 iter_args(%scan3A_341 = %scan3A_333) -> (i32)  : i32 {
        %mul3A_342 = arith.constant 16 : i32
        %mul3A_343 = arith.muli %scan3A_340, %mul3A_342 : i32
        %get3A = arith.index_cast %mul3A_343 : i32 to index
        %get3A_344 = tpu.vector_load %arg7[%get3A] {strides = array<i32>} : memref<10240xi32, #tpu.memory_space<vmem>>, vector<16xi32>,
        %mul3A_345 = arith.constant 16 : i32
        %mul3A_346 = arith.muli %scan3A_340, %mul3A_345 : i32
        %get3A_347 = arith.index_cast %mul3A_346 : i32 to index
        %get3A_348 = tpu.vector_load %run_scoped3A_330[%get3A_347] {strides = array<i32>} : memref<10112xi32, #tpu.memory_space<vmem>>, vector<16xi32>,
        %shift_right_logical3A = arith.constant 5 : i32
        %shift_right_logical3A_349 = vector.broadcast %shift_right_logical3A : i32 to vector<16xi32>
        %shift_right_logical3A_350 = arith.shrui %get3A_344, %shift_right_logical3A_349 : vector<16xi32>
        %gather3A = tpu.vector_load_idx %arg6[%shift_right_logical3A_350] : memref<320xi32, #tpu.memory_space<vmem>>[vector<16xi32>], vector<16xi32>,
        %shift_right_logical3A_351 = arith.constant 5 : i32
        %shift_right_logical3A_352 = vector.broadcast %shift_right_logical3A_351 : i32 to vector<16xi32>
        %shift_right_logical3A_353 = arith.shrui %get3A_348, %shift_right_logical3A_352 : vector<16xi32>
        %gather3A_354 = tpu.vector_load_idx %arg6[%shift_right_logical3A_353] : memref<320xi32, #tpu.memory_space<vmem>>[vector<16xi32>], vector<16xi32>,
        %and3A_355 = arith.constant 31 : i32
        %and3A_356 = vector.broadcast %and3A_355 : i32 to vector<16xi32>
        %and3A_357 = arith.andi %get3A_344, %and3A_356 : vector<16xi32>
        %shift_right_logical3A_358 = arith.shrui %gather3A, %and3A_357 : vector<16xi32>
        %and3A_359 = arith.constant 31 : i32
        %and3A_360 = vector.broadcast %and3A_359 : i32 to vector<16xi32>
        %and3A_361 = arith.andi %get3A_348, %and3A_360 : vector<16xi32>
        %shift_right_logical3A_362 = arith.shrui %gather3A_354, %and3A_361 : vector<16xi32>
        %and3A_363 = arith.andi %shift_right_logical3A_358, %shift_right_logical3A_362 : vector<16xi32>
        %and3A_364 = arith.constant 1 : i32
        %and3A_365 = vector.broadcast %and3A_364 : i32 to vector<16xi32>
        %and3A_366 = arith.andi %and3A_363, %and3A_365 : vector<16xi32>
        %eq3A = arith.constant 1 : i32
        %eq3A_367 = vector.broadcast %eq3A : i32 to vector<16xi32>
        %eq3A_368 = arith.cmpi eq, %and3A_366, %eq3A_367 : vector<16xi32>
        %shift_left3A_369 = arith.constant 14 : i32
        %shift_left3A_370 = vector.broadcast %shift_left3A_369 : i32 to vector<16xi32>
        %shift_left3A_371 = arith.shli %get3A_348, %shift_left3A_370 : vector<16xi32>
        %or3A = arith.ori %get3A_344, %shift_left3A_371 : vector<16xi32>
        %swap3A_372 = arith.index_cast %scan3A_341 : i32 to index
        %swap3A_373 = tpu.vector_load %arg7[%swap3A_372] masked %eq3A_368 {strides = array<i32>} : memref<10240xi32, #tpu.memory_space<vmem>>, vector<16xi32>, vector<16xi1>
        tpu.vector_store %arg7[%swap3A_372], %or3A masked %eq3A_368 {strides = array<i32>} : memref<10240xi32, #tpu.memory_space<vmem>>, vector<16xi32>, vector<16xi1>
        %all_reduce_population_count3A = tpu.all_reduce %eq3A_368 {dim = 0 : i64, kind = #tpu.reduction_kind<sum>} : vector<16xi1> -> vector<16xi32>
        %slice3A = vector.extract_strided_slice %all_reduce_population_count3A {offsets = [0], sizes = [1], strides = [1]} : vector<16xi32> to vector<1xi32>
        %squeeze3A = vector.extract %slice3A[0] : i32 from vector<1xi32>
        %add3A_374 = arith.addi %scan3A_341, %squeeze3A : i32
        %scan3A_375 = arith.constant 1 : i32
        %scan3A_376 = arith.addi %scan3A_340, %scan3A_375 : i32
        %mul3A_377 = arith.constant 16 : i32
        %mul3A_378 = arith.muli %scan3A_376, %mul3A_377 : i32
        %get3A_379 = arith.index_cast %mul3A_378 : i32 to index
        %get3A_380 = tpu.vector_load %arg7[%get3A_379] {strides = array<i32>} : memref<10240xi32, #tpu.memory_space<vmem>>, vector<16xi32>,
        %mul3A_381 = arith.constant 16 : i32
        %mul3A_382 = arith.muli %scan3A_376, %mul3A_381 : i32
        %get3A_383 = arith.index_cast %mul3A_382 : i32 to index
        %get3A_384 = tpu.vector_load %run_scoped3A_330[%get3A_383] {strides = array<i32>} : memref<10112xi32, #tpu.memory_space<vmem>>, vector<16xi32>,
        %shift_right_logical3A_385 = arith.constant 5 : i32
        %shift_right_logical3A_386 = vector.broadcast %shift_right_logical3A_385 : i32 to vector<16xi32>
        %shift_right_logical3A_387 = arith.shrui %get3A_380, %shift_right_logical3A_386 : vector<16xi32>
        %gather3A_388 = tpu.vector_load_idx %arg6[%shift_right_logical3A_387] : memref<320xi32, #tpu.memory_space<vmem>>[vector<16xi32>], vector<16xi32>,
        %shift_right_logical3A_389 = arith.constant 5 : i32
        %shift_right_logical3A_390 = vector.broadcast %shift_right_logical3A_389 : i32 to vector<16xi32>
        %shift_right_logical3A_391 = arith.shrui %get3A_384, %shift_right_logical3A_390 : vector<16xi32>
        %gather3A_392 = tpu.vector_load_idx %arg6[%shift_right_logical3A_391] : memref<320xi32, #tpu.memory_space<vmem>>[vector<16xi32>], vector<16xi32>,
        %and3A_393 = arith.constant 31 : i32
        %and3A_394 = vector.broadcast %and3A_393 : i32 to vector<16xi32>
        %and3A_395 = arith.andi %get3A_380, %and3A_394 : vector<16xi32>
        %shift_right_logical3A_396 = arith.shrui %gather3A_388, %and3A_395 : vector<16xi32>
        %and3A_397 = arith.constant 31 : i32
        %and3A_398 = vector.broadcast %and3A_397 : i32 to vector<16xi32>
        %and3A_399 = arith.andi %get3A_384, %and3A_398 : vector<16xi32>
        %shift_right_logical3A_400 = arith.shrui %gather3A_392, %and3A_399 : vector<16xi32>
        %and3A_401 = arith.andi %shift_right_logical3A_396, %shift_right_logical3A_400 : vector<16xi32>
        %and3A_402 = arith.constant 1 : i32
        %and3A_403 = vector.broadcast %and3A_402 : i32 to vector<16xi32>
        %and3A_404 = arith.andi %and3A_401, %and3A_403 : vector<16xi32>
        %eq3A_405 = arith.constant 1 : i32
        %eq3A_406 = vector.broadcast %eq3A_405 : i32 to vector<16xi32>
        %eq3A_407 = arith.cmpi eq, %and3A_404, %eq3A_406 : vector<16xi32>
        %shift_left3A_408 = arith.constant 14 : i32
        %shift_left3A_409 = vector.broadcast %shift_left3A_408 : i32 to vector<16xi32>
        %shift_left3A_410 = arith.shli %get3A_384, %shift_left3A_409 : vector<16xi32>
        %or3A_411 = arith.ori %get3A_380, %shift_left3A_410 : vector<16xi32>
        %swap3A_412 = arith.index_cast %add3A_374 : i32 to index
        %swap3A_413 = tpu.vector_load %arg7[%swap3A_412] masked %eq3A_407 {strides = array<i32>} : memref<10240xi32, #tpu.memory_space<vmem>>, vector<16xi32>, vector<16xi1>
        tpu.vector_store %arg7[%swap3A_412], %or3A_411 masked %eq3A_407 {strides = array<i32>} : memref<10240xi32, #tpu.memory_space<vmem>>, vector<16xi32>, vector<16xi1>
        %all_reduce_population_count3A_414 = tpu.all_reduce %eq3A_407 {dim = 0 : i64, kind = #tpu.reduction_kind<sum>} : vector<16xi1> -> vector<16xi32>
        %slice3A_415 = vector.extract_strided_slice %all_reduce_population_count3A_414 {offsets = [0], sizes = [1], strides = [1]} : vector<16xi32> to vector<1xi32>
        %squeeze3A_416 = vector.extract %slice3A_415[0] : i32 from vector<1xi32>
        %add3A_417 = arith.addi %add3A_374, %squeeze3A_416 : i32
        %scan3A_418 = arith.constant 2 : i32
        %scan3A_419 = arith.addi %scan3A_340, %scan3A_418 : i32
        %mul3A_420 = arith.constant 16 : i32
        %mul3A_421 = arith.muli %scan3A_419, %mul3A_420 : i32
        %get3A_422 = arith.index_cast %mul3A_421 : i32 to index
        %get3A_423 = tpu.vector_load %arg7[%get3A_422] {strides = array<i32>} : memref<10240xi32, #tpu.memory_space<vmem>>, vector<16xi32>,
        %mul3A_424 = arith.constant 16 : i32
        %mul3A_425 = arith.muli %scan3A_419, %mul3A_424 : i32
        %get3A_426 = arith.index_cast %mul3A_425 : i32 to index
        %get3A_427 = tpu.vector_load %run_scoped3A_330[%get3A_426] {strides = array<i32>} : memref<10112xi32, #tpu.memory_space<vmem>>, vector<16xi32>,
        %shift_right_logical3A_428 = arith.constant 5 : i32
        %shift_right_logical3A_429 = vector.broadcast %shift_right_logical3A_428 : i32 to vector<16xi32>
        %shift_right_logical3A_430 = arith.shrui %get3A_423, %shift_right_logical3A_429 : vector<16xi32>
        %gather3A_431 = tpu.vector_load_idx %arg6[%shift_right_logical3A_430] : memref<320xi32, #tpu.memory_space<vmem>>[vector<16xi32>], vector<16xi32>,
        %shift_right_logical3A_432 = arith.constant 5 : i32
        %shift_right_logical3A_433 = vector.broadcast %shift_right_logical3A_432 : i32 to vector<16xi32>
        %shift_right_logical3A_434 = arith.shrui %get3A_427, %shift_right_logical3A_433 : vector<16xi32>
        %gather3A_435 = tpu.vector_load_idx %arg6[%shift_right_logical3A_434] : memref<320xi32, #tpu.memory_space<vmem>>[vector<16xi32>], vector<16xi32>,
        %and3A_436 = arith.constant 31 : i32
        %and3A_437 = vector.broadcast %and3A_436 : i32 to vector<16xi32>
        %and3A_438 = arith.andi %get3A_423, %and3A_437 : vector<16xi32>
        %shift_right_logical3A_439 = arith.shrui %gather3A_431, %and3A_438 : vector<16xi32>
        %and3A_440 = arith.constant 31 : i32
        %and3A_441 = vector.broadcast %and3A_440 : i32 to vector<16xi32>
        %and3A_442 = arith.andi %get3A_427, %and3A_441 : vector<16xi32>
        %shift_right_logical3A_443 = arith.shrui %gather3A_435, %and3A_442 : vector<16xi32>
        %and3A_444 = arith.andi %shift_right_logical3A_439, %shift_right_logical3A_443 : vector<16xi32>
        %and3A_445 = arith.constant 1 : i32
        %and3A_446 = vector.broadcast %and3A_445 : i32 to vector<16xi32>
        %and3A_447 = arith.andi %and3A_444, %and3A_446 : vector<16xi32>
        %eq3A_448 = arith.constant 1 : i32
        %eq3A_449 = vector.broadcast %eq3A_448 : i32 to vector<16xi32>
        %eq3A_450 = arith.cmpi eq, %and3A_447, %eq3A_449 : vector<16xi32>
        %shift_left3A_451 = arith.constant 14 : i32
        %shift_left3A_452 = vector.broadcast %shift_left3A_451 : i32 to vector<16xi32>
        %shift_left3A_453 = arith.shli %get3A_427, %shift_left3A_452 : vector<16xi32>
        %or3A_454 = arith.ori %get3A_423, %shift_left3A_453 : vector<16xi32>
        %swap3A_455 = arith.index_cast %add3A_417 : i32 to index
        %swap3A_456 = tpu.vector_load %arg7[%swap3A_455] masked %eq3A_450 {strides = array<i32>} : memref<10240xi32, #tpu.memory_space<vmem>>, vector<16xi32>, vector<16xi1>
        tpu.vector_store %arg7[%swap3A_455], %or3A_454 masked %eq3A_450 {strides = array<i32>} : memref<10240xi32, #tpu.memory_space<vmem>>, vector<16xi32>, vector<16xi1>
        %all_reduce_population_count3A_457 = tpu.all_reduce %eq3A_450 {dim = 0 : i64, kind = #tpu.reduction_kind<sum>} : vector<16xi1> -> vector<16xi32>
        %slice3A_458 = vector.extract_strided_slice %all_reduce_population_count3A_457 {offsets = [0], sizes = [1], strides = [1]} : vector<16xi32> to vector<1xi32>
        %squeeze3A_459 = vector.extract %slice3A_458[0] : i32 from vector<1xi32>
        %add3A_460 = arith.addi %add3A_417, %squeeze3A_459 : i32
        %scan3A_461 = arith.constant 3 : i32
        %scan3A_462 = arith.addi %scan3A_340, %scan3A_461 : i32
        %mul3A_463 = arith.constant 16 : i32
        %mul3A_464 = arith.muli %scan3A_462, %mul3A_463 : i32
        %get3A_465 = arith.index_cast %mul3A_464 : i32 to index
        %get3A_466 = tpu.vector_load %arg7[%get3A_465] {strides = array<i32>} : memref<10240xi32, #tpu.memory_space<vmem>>, vector<16xi32>,
        %mul3A_467 = arith.constant 16 : i32
        %mul3A_468 = arith.muli %scan3A_462, %mul3A_467 : i32
        %get3A_469 = arith.index_cast %mul3A_468 : i32 to index
        %get3A_470 = tpu.vector_load %run_scoped3A_330[%get3A_469] {strides = array<i32>} : memref<10112xi32, #tpu.memory_space<vmem>>, vector<16xi32>,
        %shift_right_logical3A_471 = arith.constant 5 : i32
        %shift_right_logical3A_472 = vector.broadcast %shift_right_logical3A_471 : i32 to vector<16xi32>
        %shift_right_logical3A_473 = arith.shrui %get3A_466, %shift_right_logical3A_472 : vector<16xi32>
        %gather3A_474 = tpu.vector_load_idx %arg6[%shift_right_logical3A_473] : memref<320xi32, #tpu.memory_space<vmem>>[vector<16xi32>], vector<16xi32>,
        %shift_right_logical3A_475 = arith.constant 5 : i32
        %shift_right_logical3A_476 = vector.broadcast %shift_right_logical3A_475 : i32 to vector<16xi32>
        %shift_right_logical3A_477 = arith.shrui %get3A_470, %shift_right_logical3A_476 : vector<16xi32>
        %gather3A_478 = tpu.vector_load_idx %arg6[%shift_right_logical3A_477] : memref<320xi32, #tpu.memory_space<vmem>>[vector<16xi32>], vector<16xi32>,
        %and3A_479 = arith.constant 31 : i32
        %and3A_480 = vector.broadcast %and3A_479 : i32 to vector<16xi32>
        %and3A_481 = arith.andi %get3A_466, %and3A_480 : vector<16xi32>
        %shift_right_logical3A_482 = arith.shrui %gather3A_474, %and3A_481 : vector<16xi32>
        %and3A_483 = arith.constant 31 : i32
        %and3A_484 = vector.broadcast %and3A_483 : i32 to vector<16xi32>
        %and3A_485 = arith.andi %get3A_470, %and3A_484 : vector<16xi32>
        %shift_right_logical3A_486 = arith.shrui %gather3A_478, %and3A_485 : vector<16xi32>
        %and3A_487 = arith.andi %shift_right_logical3A_482, %shift_right_logical3A_486 : vector<16xi32>
        %and3A_488 = arith.constant 1 : i32
        %and3A_489 = vector.broadcast %and3A_488 : i32 to vector<16xi32>
        %and3A_490 = arith.andi %and3A_487, %and3A_489 : vector<16xi32>
        %eq3A_491 = arith.constant 1 : i32
        %eq3A_492 = vector.broadcast %eq3A_491 : i32 to vector<16xi32>
        %eq3A_493 = arith.cmpi eq, %and3A_490, %eq3A_492 : vector<16xi32>
        %shift_left3A_494 = arith.constant 14 : i32
        %shift_left3A_495 = vector.broadcast %shift_left3A_494 : i32 to vector<16xi32>
        %shift_left3A_496 = arith.shli %get3A_470, %shift_left3A_495 : vector<16xi32>
        %or3A_497 = arith.ori %get3A_466, %shift_left3A_496 : vector<16xi32>
        %swap3A_498 = arith.index_cast %add3A_460 : i32 to index
        %swap3A_499 = tpu.vector_load %arg7[%swap3A_498] masked %eq3A_493 {strides = array<i32>} : memref<10240xi32, #tpu.memory_space<vmem>>, vector<16xi32>, vector<16xi1>
        tpu.vector_store %arg7[%swap3A_498], %or3A_497 masked %eq3A_493 {strides = array<i32>} : memref<10240xi32, #tpu.memory_space<vmem>>, vector<16xi32>, vector<16xi1>
        %all_reduce_population_count3A_500 = tpu.all_reduce %eq3A_493 {dim = 0 : i64, kind = #tpu.reduction_kind<sum>} : vector<16xi1> -> vector<16xi32>
        %slice3A_501 = vector.extract_strided_slice %all_reduce_population_count3A_500 {offsets = [0], sizes = [1], strides = [1]} : vector<16xi32> to vector<1xi32>
        %squeeze3A_502 = vector.extract %slice3A_501[0] : i32 from vector<1xi32>
        %add3A_503 = arith.addi %add3A_460, %squeeze3A_502 : i32
        %scan3A_504 = arith.constant 4 : i32
        %scan3A_505 = arith.addi %scan3A_340, %scan3A_504 : i32
        %mul3A_506 = arith.constant 16 : i32
        %mul3A_507 = arith.muli %scan3A_505, %mul3A_506 : i32
        %get3A_508 = arith.index_cast %mul3A_507 : i32 to index
        %get3A_509 = tpu.vector_load %arg7[%get3A_508] {strides = array<i32>} : memref<10240xi32, #tpu.memory_space<vmem>>, vector<16xi32>,
        %mul3A_510 = arith.constant 16 : i32
        %mul3A_511 = arith.muli %scan3A_505, %mul3A_510 : i32
        %get3A_512 = arith.index_cast %mul3A_511 : i32 to index
        %get3A_513 = tpu.vector_load %run_scoped3A_330[%get3A_512] {strides = array<i32>} : memref<10112xi32, #tpu.memory_space<vmem>>, vector<16xi32>,
        %shift_right_logical3A_514 = arith.constant 5 : i32
        %shift_right_logical3A_515 = vector.broadcast %shift_right_logical3A_514 : i32 to vector<16xi32>
        %shift_right_logical3A_516 = arith.shrui %get3A_509, %shift_right_logical3A_515 : vector<16xi32>
        %gather3A_517 = tpu.vector_load_idx %arg6[%shift_right_logical3A_516] : memref<320xi32, #tpu.memory_space<vmem>>[vector<16xi32>], vector<16xi32>,
        %shift_right_logical3A_518 = arith.constant 5 : i32
        %shift_right_logical3A_519 = vector.broadcast %shift_right_logical3A_518 : i32 to vector<16xi32>
        %shift_right_logical3A_520 = arith.shrui %get3A_513, %shift_right_logical3A_519 : vector<16xi32>
        %gather3A_521 = tpu.vector_load_idx %arg6[%shift_right_logical3A_520] : memref<320xi32, #tpu.memory_space<vmem>>[vector<16xi32>], vector<16xi32>,
        %and3A_522 = arith.constant 31 : i32
        %and3A_523 = vector.broadcast %and3A_522 : i32 to vector<16xi32>
        %and3A_524 = arith.andi %get3A_509, %and3A_523 : vector<16xi32>
        %shift_right_logical3A_525 = arith.shrui %gather3A_517, %and3A_524 : vector<16xi32>
        %and3A_526 = arith.constant 31 : i32
        %and3A_527 = vector.broadcast %and3A_526 : i32 to vector<16xi32>
        %and3A_528 = arith.andi %get3A_513, %and3A_527 : vector<16xi32>
        %shift_right_logical3A_529 = arith.shrui %gather3A_521, %and3A_528 : vector<16xi32>
        %and3A_530 = arith.andi %shift_right_logical3A_525, %shift_right_logical3A_529 : vector<16xi32>
        %and3A_531 = arith.constant 1 : i32
        %and3A_532 = vector.broadcast %and3A_531 : i32 to vector<16xi32>
        %and3A_533 = arith.andi %and3A_530, %and3A_532 : vector<16xi32>
        %eq3A_534 = arith.constant 1 : i32
        %eq3A_535 = vector.broadcast %eq3A_534 : i32 to vector<16xi32>
        %eq3A_536 = arith.cmpi eq, %and3A_533, %eq3A_535 : vector<16xi32>
        %shift_left3A_537 = arith.constant 14 : i32
        %shift_left3A_538 = vector.broadcast %shift_left3A_537 : i32 to vector<16xi32>
        %shift_left3A_539 = arith.shli %get3A_513, %shift_left3A_538 : vector<16xi32>
        %or3A_540 = arith.ori %get3A_509, %shift_left3A_539 : vector<16xi32>
        %swap3A_541 = arith.index_cast %add3A_503 : i32 to index
        %swap3A_542 = tpu.vector_load %arg7[%swap3A_541] masked %eq3A_536 {strides = array<i32>} : memref<10240xi32, #tpu.memory_space<vmem>>, vector<16xi32>, vector<16xi1>
        tpu.vector_store %arg7[%swap3A_541], %or3A_540 masked %eq3A_536 {strides = array<i32>} : memref<10240xi32, #tpu.memory_space<vmem>>, vector<16xi32>, vector<16xi1>
        %all_reduce_population_count3A_543 = tpu.all_reduce %eq3A_536 {dim = 0 : i64, kind = #tpu.reduction_kind<sum>} : vector<16xi1> -> vector<16xi32>
        %slice3A_544 = vector.extract_strided_slice %all_reduce_population_count3A_543 {offsets = [0], sizes = [1], strides = [1]} : vector<16xi32> to vector<1xi32>
        %squeeze3A_545 = vector.extract %slice3A_544[0] : i32 from vector<1xi32>
        %add3A_546 = arith.addi %add3A_503, %squeeze3A_545 : i32
        %scan3A_547 = arith.constant 5 : i32
        %scan3A_548 = arith.addi %scan3A_340, %scan3A_547 : i32
        %mul3A_549 = arith.constant 16 : i32
        %mul3A_550 = arith.muli %scan3A_548, %mul3A_549 : i32
        %get3A_551 = arith.index_cast %mul3A_550 : i32 to index
        %get3A_552 = tpu.vector_load %arg7[%get3A_551] {strides = array<i32>} : memref<10240xi32, #tpu.memory_space<vmem>>, vector<16xi32>,
        %mul3A_553 = arith.constant 16 : i32
        %mul3A_554 = arith.muli %scan3A_548, %mul3A_553 : i32
        %get3A_555 = arith.index_cast %mul3A_554 : i32 to index
        %get3A_556 = tpu.vector_load %run_scoped3A_330[%get3A_555] {strides = array<i32>} : memref<10112xi32, #tpu.memory_space<vmem>>, vector<16xi32>,
        %shift_right_logical3A_557 = arith.constant 5 : i32
        %shift_right_logical3A_558 = vector.broadcast %shift_right_logical3A_557 : i32 to vector<16xi32>
        %shift_right_logical3A_559 = arith.shrui %get3A_552, %shift_right_logical3A_558 : vector<16xi32>
        %gather3A_560 = tpu.vector_load_idx %arg6[%shift_right_logical3A_559] : memref<320xi32, #tpu.memory_space<vmem>>[vector<16xi32>], vector<16xi32>,
        %shift_right_logical3A_561 = arith.constant 5 : i32
        %shift_right_logical3A_562 = vector.broadcast %shift_right_logical3A_561 : i32 to vector<16xi32>
        %shift_right_logical3A_563 = arith.shrui %get3A_556, %shift_right_logical3A_562 : vector<16xi32>
        %gather3A_564 = tpu.vector_load_idx %arg6[%shift_right_logical3A_563] : memref<320xi32, #tpu.memory_space<vmem>>[vector<16xi32>], vector<16xi32>,
        %and3A_565 = arith.constant 31 : i32
        %and3A_566 = vector.broadcast %and3A_565 : i32 to vector<16xi32>
        %and3A_567 = arith.andi %get3A_552, %and3A_566 : vector<16xi32>
        %shift_right_logical3A_568 = arith.shrui %gather3A_560, %and3A_567 : vector<16xi32>
        %and3A_569 = arith.constant 31 : i32
        %and3A_570 = vector.broadcast %and3A_569 : i32 to vector<16xi32>
        %and3A_571 = arith.andi %get3A_556, %and3A_570 : vector<16xi32>
        %shift_right_logical3A_572 = arith.shrui %gather3A_564, %and3A_571 : vector<16xi32>
        %and3A_573 = arith.andi %shift_right_logical3A_568, %shift_right_logical3A_572 : vector<16xi32>
        %and3A_574 = arith.constant 1 : i32
        %and3A_575 = vector.broadcast %and3A_574 : i32 to vector<16xi32>
        %and3A_576 = arith.andi %and3A_573, %and3A_575 : vector<16xi32>
        %eq3A_577 = arith.constant 1 : i32
        %eq3A_578 = vector.broadcast %eq3A_577 : i32 to vector<16xi32>
        %eq3A_579 = arith.cmpi eq, %and3A_576, %eq3A_578 : vector<16xi32>
        %shift_left3A_580 = arith.constant 14 : i32
        %shift_left3A_581 = vector.broadcast %shift_left3A_580 : i32 to vector<16xi32>
        %shift_left3A_582 = arith.shli %get3A_556, %shift_left3A_581 : vector<16xi32>
        %or3A_583 = arith.ori %get3A_552, %shift_left3A_582 : vector<16xi32>
        %swap3A_584 = arith.index_cast %add3A_546 : i32 to index
        %swap3A_585 = tpu.vector_load %arg7[%swap3A_584] masked %eq3A_579 {strides = array<i32>} : memref<10240xi32, #tpu.memory_space<vmem>>, vector<16xi32>, vector<16xi1>
        tpu.vector_store %arg7[%swap3A_584], %or3A_583 masked %eq3A_579 {strides = array<i32>} : memref<10240xi32, #tpu.memory_space<vmem>>, vector<16xi32>, vector<16xi1>
        %all_reduce_population_count3A_586 = tpu.all_reduce %eq3A_579 {dim = 0 : i64, kind = #tpu.reduction_kind<sum>} : vector<16xi1> -> vector<16xi32>
        %slice3A_587 = vector.extract_strided_slice %all_reduce_population_count3A_586 {offsets = [0], sizes = [1], strides = [1]} : vector<16xi32> to vector<1xi32>
        %squeeze3A_588 = vector.extract %slice3A_587[0] : i32 from vector<1xi32>
        %add3A_589 = arith.addi %add3A_546, %squeeze3A_588 : i32
        %scan3A_590 = arith.constant 6 : i32
        %scan3A_591 = arith.addi %scan3A_340, %scan3A_590 : i32
        %mul3A_592 = arith.constant 16 : i32
        %mul3A_593 = arith.muli %scan3A_591, %mul3A_592 : i32
        %get3A_594 = arith.index_cast %mul3A_593 : i32 to index
        %get3A_595 = tpu.vector_load %arg7[%get3A_594] {strides = array<i32>} : memref<10240xi32, #tpu.memory_space<vmem>>, vector<16xi32>,
        %mul3A_596 = arith.constant 16 : i32
        %mul3A_597 = arith.muli %scan3A_591, %mul3A_596 : i32
        %get3A_598 = arith.index_cast %mul3A_597 : i32 to index
        %get3A_599 = tpu.vector_load %run_scoped3A_330[%get3A_598] {strides = array<i32>} : memref<10112xi32, #tpu.memory_space<vmem>>, vector<16xi32>,
        %shift_right_logical3A_600 = arith.constant 5 : i32
        %shift_right_logical3A_601 = vector.broadcast %shift_right_logical3A_600 : i32 to vector<16xi32>
        %shift_right_logical3A_602 = arith.shrui %get3A_595, %shift_right_logical3A_601 : vector<16xi32>
        %gather3A_603 = tpu.vector_load_idx %arg6[%shift_right_logical3A_602] : memref<320xi32, #tpu.memory_space<vmem>>[vector<16xi32>], vector<16xi32>,
        %shift_right_logical3A_604 = arith.constant 5 : i32
        %shift_right_logical3A_605 = vector.broadcast %shift_right_logical3A_604 : i32 to vector<16xi32>
        %shift_right_logical3A_606 = arith.shrui %get3A_599, %shift_right_logical3A_605 : vector<16xi32>
        %gather3A_607 = tpu.vector_load_idx %arg6[%shift_right_logical3A_606] : memref<320xi32, #tpu.memory_space<vmem>>[vector<16xi32>], vector<16xi32>,
        %and3A_608 = arith.constant 31 : i32
        %and3A_609 = vector.broadcast %and3A_608 : i32 to vector<16xi32>
        %and3A_610 = arith.andi %get3A_595, %and3A_609 : vector<16xi32>
        %shift_right_logical3A_611 = arith.shrui %gather3A_603, %and3A_610 : vector<16xi32>
        %and3A_612 = arith.constant 31 : i32
        %and3A_613 = vector.broadcast %and3A_612 : i32 to vector<16xi32>
        %and3A_614 = arith.andi %get3A_599, %and3A_613 : vector<16xi32>
        %shift_right_logical3A_615 = arith.shrui %gather3A_607, %and3A_614 : vector<16xi32>
        %and3A_616 = arith.andi %shift_right_logical3A_611, %shift_right_logical3A_615 : vector<16xi32>
        %and3A_617 = arith.constant 1 : i32
        %and3A_618 = vector.broadcast %and3A_617 : i32 to vector<16xi32>
        %and3A_619 = arith.andi %and3A_616, %and3A_618 : vector<16xi32>
        %eq3A_620 = arith.constant 1 : i32
        %eq3A_621 = vector.broadcast %eq3A_620 : i32 to vector<16xi32>
        %eq3A_622 = arith.cmpi eq, %and3A_619, %eq3A_621 : vector<16xi32>
        %shift_left3A_623 = arith.constant 14 : i32
        %shift_left3A_624 = vector.broadcast %shift_left3A_623 : i32 to vector<16xi32>
        %shift_left3A_625 = arith.shli %get3A_599, %shift_left3A_624 : vector<16xi32>
        %or3A_626 = arith.ori %get3A_595, %shift_left3A_625 : vector<16xi32>
        %swap3A_627 = arith.index_cast %add3A_589 : i32 to index
        %swap3A_628 = tpu.vector_load %arg7[%swap3A_627] masked %eq3A_622 {strides = array<i32>} : memref<10240xi32, #tpu.memory_space<vmem>>, vector<16xi32>, vector<16xi1>
        tpu.vector_store %arg7[%swap3A_627], %or3A_626 masked %eq3A_622 {strides = array<i32>} : memref<10240xi32, #tpu.memory_space<vmem>>, vector<16xi32>, vector<16xi1>
        %all_reduce_population_count3A_629 = tpu.all_reduce %eq3A_622 {dim = 0 : i64, kind = #tpu.reduction_kind<sum>} : vector<16xi1> -> vector<16xi32>
        %slice3A_630 = vector.extract_strided_slice %all_reduce_population_count3A_629 {offsets = [0], sizes = [1], strides = [1]} : vector<16xi32> to vector<1xi32>
        %squeeze3A_631 = vector.extract %slice3A_630[0] : i32 from vector<1xi32>
        %add3A_632 = arith.addi %add3A_589, %squeeze3A_631 : i32
        %scan3A_633 = arith.constant 7 : i32
        %scan3A_634 = arith.addi %scan3A_340, %scan3A_633 : i32
        %mul3A_635 = arith.constant 16 : i32
        %mul3A_636 = arith.muli %scan3A_634, %mul3A_635 : i32
        %get3A_637 = arith.index_cast %mul3A_636 : i32 to index
        %get3A_638 = tpu.vector_load %arg7[%get3A_637] {strides = array<i32>} : memref<10240xi32, #tpu.memory_space<vmem>>, vector<16xi32>,
        %mul3A_639 = arith.constant 16 : i32
        %mul3A_640 = arith.muli %scan3A_634, %mul3A_639 : i32
        %get3A_641 = arith.index_cast %mul3A_640 : i32 to index
        %get3A_642 = tpu.vector_load %run_scoped3A_330[%get3A_641] {strides = array<i32>} : memref<10112xi32, #tpu.memory_space<vmem>>, vector<16xi32>,
        %shift_right_logical3A_643 = arith.constant 5 : i32
        %shift_right_logical3A_644 = vector.broadcast %shift_right_logical3A_643 : i32 to vector<16xi32>
        %shift_right_logical3A_645 = arith.shrui %get3A_638, %shift_right_logical3A_644 : vector<16xi32>
        %gather3A_646 = tpu.vector_load_idx %arg6[%shift_right_logical3A_645] : memref<320xi32, #tpu.memory_space<vmem>>[vector<16xi32>], vector<16xi32>,
        %shift_right_logical3A_647 = arith.constant 5 : i32
        %shift_right_logical3A_648 = vector.broadcast %shift_right_logical3A_647 : i32 to vector<16xi32>
        %shift_right_logical3A_649 = arith.shrui %get3A_642, %shift_right_logical3A_648 : vector<16xi32>
        %gather3A_650 = tpu.vector_load_idx %arg6[%shift_right_logical3A_649] : memref<320xi32, #tpu.memory_space<vmem>>[vector<16xi32>], vector<16xi32>,
        %and3A_651 = arith.constant 31 : i32
        %and3A_652 = vector.broadcast %and3A_651 : i32 to vector<16xi32>
        %and3A_653 = arith.andi %get3A_638, %and3A_652 : vector<16xi32>
        %shift_right_logical3A_654 = arith.shrui %gather3A_646, %and3A_653 : vector<16xi32>
        %and3A_655 = arith.constant 31 : i32
        %and3A_656 = vector.broadcast %and3A_655 : i32 to vector<16xi32>
        %and3A_657 = arith.andi %get3A_642, %and3A_656 : vector<16xi32>
        %shift_right_logical3A_658 = arith.shrui %gather3A_650, %and3A_657 : vector<16xi32>
        %and3A_659 = arith.andi %shift_right_logical3A_654, %shift_right_logical3A_658 : vector<16xi32>
        %and3A_660 = arith.constant 1 : i32
        %and3A_661 = vector.broadcast %and3A_660 : i32 to vector<16xi32>
        %and3A_662 = arith.andi %and3A_659, %and3A_661 : vector<16xi32>
        %eq3A_663 = arith.constant 1 : i32
        %eq3A_664 = vector.broadcast %eq3A_663 : i32 to vector<16xi32>
        %eq3A_665 = arith.cmpi eq, %and3A_662, %eq3A_664 : vector<16xi32>
        %shift_left3A_666 = arith.constant 14 : i32
        %shift_left3A_667 = vector.broadcast %shift_left3A_666 : i32 to vector<16xi32>
        %shift_left3A_668 = arith.shli %get3A_642, %shift_left3A_667 : vector<16xi32>
        %or3A_669 = arith.ori %get3A_638, %shift_left3A_668 : vector<16xi32>
        %swap3A_670 = arith.index_cast %add3A_632 : i32 to index
        %swap3A_671 = tpu.vector_load %arg7[%swap3A_670] masked %eq3A_665 {strides = array<i32>} : memref<10240xi32, #tpu.memory_space<vmem>>, vector<16xi32>, vector<16xi1>
        tpu.vector_store %arg7[%swap3A_670], %or3A_669 masked %eq3A_665 {strides = array<i32>} : memref<10240xi32, #tpu.memory_space<vmem>>, vector<16xi32>, vector<16xi1>
        %all_reduce_population_count3A_672 = tpu.all_reduce %eq3A_665 {dim = 0 : i64, kind = #tpu.reduction_kind<sum>} : vector<16xi1> -> vector<16xi32>
        %slice3A_673 = vector.extract_strided_slice %all_reduce_population_count3A_672 {offsets = [0], sizes = [1], strides = [1]} : vector<16xi32> to vector<1xi32>
        %squeeze3A_674 = vector.extract %slice3A_673[0] : i32 from vector<1xi32>
        %add3A_675 = arith.addi %add3A_632, %squeeze3A_674 : i32
        scf.yield %add3A_675 : i32
      }
      %scan3A_339 = arith.constant 632 : i32
      tpu.yield %scan3A_338 : i32
    }) : () -> i32
    %shift_left3A = arith.constant 14 : i32
    %shift_left3A_267 = arith.shli %add3A_2, %shift_left3A : i32
    %broadcast_in_dim3A_268 = vector.broadcast %shift_left3A_267 : i32 to vector<16xi32>
    %add3A_269 = arith.constant 0 : i32
    %add3A_270 = arith.addi %run_scoped3A, %add3A_269 : i32
    %swap3A_271 = arith.index_cast %add3A_270 : i32 to index
    %swap3A_272 = tpu.vector_load %arg7[%swap3A_271] {strides = array<i32>} : memref<10240xi32, #tpu.memory_space<vmem>>, vector<16xi32>,
    tpu.vector_store %arg7[%swap3A_271], %broadcast_in_dim3A_268 {strides = array<i32>} : memref<10240xi32, #tpu.memory_space<vmem>>, vector<16xi32>,
    %add3A_273 = arith.constant 16 : i32
    %add3A_274 = arith.addi %run_scoped3A, %add3A_273 : i32
    %swap3A_275 = arith.index_cast %add3A_274 : i32 to index
    %swap3A_276 = tpu.vector_load %arg7[%swap3A_275] {strides = array<i32>} : memref<10240xi32, #tpu.memory_space<vmem>>, vector<16xi32>,
    tpu.vector_store %arg7[%swap3A_275], %broadcast_in_dim3A_268 {strides = array<i32>} : memref<10240xi32, #tpu.memory_space<vmem>>, vector<16xi32>,
    %add3A_277 = arith.constant 32 : i32
    %add3A_278 = arith.addi %run_scoped3A, %add3A_277 : i32
    %swap3A_279 = arith.index_cast %add3A_278 : i32 to index
    %swap3A_280 = tpu.vector_load %arg7[%swap3A_279] {strides = array<i32>} : memref<10240xi32, #tpu.memory_space<vmem>>, vector<16xi32>,
    tpu.vector_store %arg7[%swap3A_279], %broadcast_in_dim3A_268 {strides = array<i32>} : memref<10240xi32, #tpu.memory_space<vmem>>, vector<16xi32>,
    %add3A_281 = arith.constant 48 : i32
    %add3A_282 = arith.addi %run_scoped3A, %add3A_281 : i32
    %swap3A_283 = arith.index_cast %add3A_282 : i32 to index
    %swap3A_284 = tpu.vector_load %arg7[%swap3A_283] {strides = array<i32>} : memref<10240xi32, #tpu.memory_space<vmem>>, vector<16xi32>,
    tpu.vector_store %arg7[%swap3A_283], %broadcast_in_dim3A_268 {strides = array<i32>} : memref<10240xi32, #tpu.memory_space<vmem>>, vector<16xi32>,
    %add3A_285 = arith.constant 64 : i32
    %add3A_286 = arith.addi %run_scoped3A, %add3A_285 : i32
    %swap3A_287 = arith.index_cast %add3A_286 : i32 to index
    %swap3A_288 = tpu.vector_load %arg7[%swap3A_287] {strides = array<i32>} : memref<10240xi32, #tpu.memory_space<vmem>>, vector<16xi32>,
    tpu.vector_store %arg7[%swap3A_287], %broadcast_in_dim3A_268 {strides = array<i32>} : memref<10240xi32, #tpu.memory_space<vmem>>, vector<16xi32>,
    %add3A_289 = arith.constant 80 : i32
    %add3A_290 = arith.addi %run_scoped3A, %add3A_289 : i32
    %swap3A_291 = arith.index_cast %add3A_290 : i32 to index
    %swap3A_292 = tpu.vector_load %arg7[%swap3A_291] {strides = array<i32>} : memref<10240xi32, #tpu.memory_space<vmem>>, vector<16xi32>,
    tpu.vector_store %arg7[%swap3A_291], %broadcast_in_dim3A_268 {strides = array<i32>} : memref<10240xi32, #tpu.memory_space<vmem>>, vector<16xi32>,
    %add3A_293 = arith.constant 96 : i32
    %add3A_294 = arith.addi %run_scoped3A, %add3A_293 : i32
    %swap3A_295 = arith.index_cast %add3A_294 : i32 to index
    %swap3A_296 = tpu.vector_load %arg7[%swap3A_295] {strides = array<i32>} : memref<10240xi32, #tpu.memory_space<vmem>>, vector<16xi32>,
    tpu.vector_store %arg7[%swap3A_295], %broadcast_in_dim3A_268 {strides = array<i32>} : memref<10240xi32, #tpu.memory_space<vmem>>, vector<16xi32>,
    %add3A_297 = arith.constant 112 : i32
    %add3A_298 = arith.addi %run_scoped3A, %add3A_297 : i32
    %swap3A_299 = arith.index_cast %add3A_298 : i32 to index
    %swap3A_300 = tpu.vector_load %arg7[%swap3A_299] {strides = array<i32>} : memref<10240xi32, #tpu.memory_space<vmem>>, vector<16xi32>,
    tpu.vector_store %arg7[%swap3A_299], %broadcast_in_dim3A_268 {strides = array<i32>} : memref<10240xi32, #tpu.memory_space<vmem>>, vector<16xi32>,
    %add3A_301 = arith.constant 32 : i32
    %add3A_302 = arith.addi %run_scoped3A, %add3A_301 : i32
    %sub3A = arith.constant 1 : i32
    %sub3A_303 = arith.subi %add3A_302, %sub3A : i32
    %jit3A = arith.constant 32 : i32
    %div3A = arith.divsi %sub3A_303, %jit3A : i32
    %sign3A = arith.constant 0 : i32
    %sign3A_304 = arith.cmpi sgt, %sub3A_303, %sign3A : i32
    %sign3A_305 = arith.extui %sign3A_304 : i1 to i32
    %sign3A_306 = arith.constant 0 : i32
    %sign3A_307 = arith.cmpi slt, %sub3A_303, %sign3A_306 : i32
    %sign3A_308 = arith.extui %sign3A_307 : i1 to i32
    %sign3A_309 = arith.subi %sign3A_305, %sign3A_308 : i32
    %sign3A_310 = arith.constant 0 : i32
    %sign3A_311 = arith.cmpi sgt, %jit3A, %sign3A_310 : i32
    %sign3A_312 = arith.extui %sign3A_311 : i1 to i32
    %sign3A_313 = arith.constant 0 : i32
    %sign3A_314 = arith.cmpi slt, %jit3A, %sign3A_313 : i32
    %sign3A_315 = arith.extui %sign3A_314 : i1 to i32
    %sign3A_316 = arith.subi %sign3A_312, %sign3A_315 : i32
    %ne3A = arith.cmpi ne, %sign3A_309, %sign3A_316 : i32
    %rem3A = arith.remsi %sub3A_303, %jit3A : i32
    %ne3A_317 = arith.constant 0 : i32
    %ne3A_318 = arith.cmpi ne, %rem3A, %ne3A_317 : i32
    %and3A = arith.andi %ne3A, %ne3A_318 : i1
    %sub3A_319 = arith.constant 1 : i32
    %sub3A_320 = arith.subi %div3A, %sub3A_319 : i32
    %select_n3A = arith.select %and3A, %sub3A_320, %div3A : i32
    %max3A = arith.constant 1 : i32
    %max3A_321 = arith.maxsi %select_n3A, %max3A : i32
    %scan3A_322 = arith.constant 0 : i32
    %scan3A_323 = arith.constant 0 : i32
    %scan3A_324 = arith.constant 79 : i32
    %scan3A_325 = arith.addi %scan3A_323, %scan3A_324 : i32
    %scan3A_326 = arith.constant 1 : i32
    %scan3A_327 = scf.for %scan3A_330 = %scan3A_323 to %scan3A_325 step %scan3A_326 iter_args(%scan3A_331 = %scan3A_322) -> (i32)  : i32 {
      %mul3A_332 = arith.constant 8 : i32
      %mul3A_333 = arith.muli %scan3A_330, %mul3A_332 : i32
      %add3A_334 = arith.addi %mul3A_260, %mul3A_333 : i32
      %dma_wait3A = arith.constant 0 : i32
      %dma_wait3A_335 = arith.constant 0 : i32
      %dma_wait3A_336 = tpu.memref_slice %arg11[%add3A_334, %dma_wait3A_335] : memref<10112x128xf32, #tpu.memory_space<vmem_shared>> -> memref<8x128xf32, #tpu.memory_space<vmem_shared>>
      %dma_wait3A_337 = tpu.memref_slice %arg12[%dma_wait3A] : memref<8x!tpu.dma_semaphore, #tpu.memory_space<semaphore_mem>> -> memref<1x!tpu.dma_semaphore, #tpu.memory_space<semaphore_mem>>
      %dma_wait3A_338 = tpu.memref_squeeze %dma_wait3A_337 : memref<1x!tpu.dma_semaphore, #tpu.memory_space<semaphore_mem>> -> memref<!tpu.dma_semaphore, #tpu.memory_space<semaphore_mem>>
      %dma_wait3A_339 = arith.constant 0 : i32
      %dma_wait3A_340 = tpu.memref_slice %arg11[%add3A_334, %dma_wait3A_339] : memref<10112x128xf32, #tpu.memory_space<vmem_shared>> -> memref<8x128xf32, #tpu.memory_space<vmem_shared>>
      tpu.wait_dma2 semaphore(%dma_wait3A_338 : memref<!tpu.dma_semaphore, #tpu.memory_space<semaphore_mem>>) src(%arg10 : memref<8x128xf32, #tpu.memory_space<vmem>>) dst(%dma_wait3A_340 : memref<8x128xf32, #tpu.memory_space<vmem_shared>>)
      %scan3A_341 = arith.constant 0 : i32
      scf.yield %scan3A_341 : i32
    }
    %scan3A_328 = arith.constant 79 : i32
    %barrier3A = arith.constant 0 : index
    tpu.barrier barrier_id(%barrier3A)
    "tpu.region"() ({
      %run_scoped3A_330 = memref.alloca() : memref<8x32x128xf32, #tpu.memory_space<vmem>>
      %gt3A = arith.constant 0 : i32
      %gt3A_331 = arith.cmpi sgt, %max3A_321, %gt3A : i32
      %convert_element_type3A = arith.extui %gt3A_331 : i1 to i32
      %cond3A = arith.constant 0 : i32
      %cond3A_332 = arith.cmpi ne, %convert_element_type3A, %cond3A : i32
      scf.if %cond3A_332 {
        %get3A = arith.constant 0 : index
        %get3A_374 = tpu.vector_load %arg7[%get3A] {strides = array<i32>} : memref<10240xi32, #tpu.memory_space<vmem>>, vector<16xi32>,
        %and3A_375 = arith.constant 16383 : i32
        %and3A_376 = vector.broadcast %and3A_375 : i32 to vector<16xi32>
        %and3A_377 = arith.andi %get3A_374, %and3A_376 : vector<16xi32>
        %swap3A_378 = arith.constant 0 : i32
        %swap3A_379 = arith.index_cast %swap3A_378 : i32 to index
        %swap3A_380 = arith.constant 0 : index
        %swap3A_381 = tpu.vector_load %arg8[%swap3A_379, %swap3A_380] {strides = array<i32>} : memref<8x32xi32, #tpu.memory_space<vmem>>, vector<16xi32>,
        tpu.vector_store %arg8[%swap3A_379, %swap3A_380], %and3A_377 {strides = array<i32>} : memref<8x32xi32, #tpu.memory_space<vmem>>, vector<16xi32>,
        %shift_right_logical3A = arith.constant 14 : i32
        %shift_right_logical3A_382 = vector.broadcast %shift_right_logical3A : i32 to vector<16xi32>
        %shift_right_logical3A_383 = arith.shrui %get3A_374, %shift_right_logical3A_382 : vector<16xi32>
        %swap3A_384 = arith.constant 0 : i32
        %swap3A_385 = arith.index_cast %swap3A_384 : i32 to index
        %swap3A_386 = arith.constant 0 : index
        %swap3A_387 = tpu.vector_load %arg9[%swap3A_385, %swap3A_386] {strides = array<i32>} : memref<8x32xi32, #tpu.memory_space<vmem>>, vector<16xi32>,
        tpu.vector_store %arg9[%swap3A_385, %swap3A_386], %shift_right_logical3A_383 {strides = array<i32>} : memref<8x32xi32, #tpu.memory_space<vmem>>, vector<16xi32>,
        %get3A_388 = arith.constant 16 : index
        %get3A_389 = tpu.vector_load %arg7[%get3A_388] {strides = array<i32>} : memref<10240xi32, #tpu.memory_space<vmem>>, vector<16xi32>,
        %and3A_390 = arith.constant 16383 : i32
        %and3A_391 = vector.broadcast %and3A_390 : i32 to vector<16xi32>
        %and3A_392 = arith.andi %get3A_389, %and3A_391 : vector<16xi32>
        %swap3A_393 = arith.constant 0 : i32
        %swap3A_394 = arith.index_cast %swap3A_393 : i32 to index
        %swap3A_395 = arith.constant 16 : index
        %swap3A_396 = tpu.vector_load %arg8[%swap3A_394, %swap3A_395] {strides = array<i32>} : memref<8x32xi32, #tpu.memory_space<vmem>>, vector<16xi32>,
        tpu.vector_store %arg8[%swap3A_394, %swap3A_395], %and3A_392 {strides = array<i32>} : memref<8x32xi32, #tpu.memory_space<vmem>>, vector<16xi32>,
        %shift_right_logical3A_397 = arith.constant 14 : i32
        %shift_right_logical3A_398 = vector.broadcast %shift_right_logical3A_397 : i32 to vector<16xi32>
        %shift_right_logical3A_399 = arith.shrui %get3A_389, %shift_right_logical3A_398 : vector<16xi32>
        %swap3A_400 = arith.constant 0 : i32
        %swap3A_401 = arith.index_cast %swap3A_400 : i32 to index
        %swap3A_402 = arith.constant 16 : index
        %swap3A_403 = tpu.vector_load %arg9[%swap3A_401, %swap3A_402] {strides = array<i32>} : memref<8x32xi32, #tpu.memory_space<vmem>>, vector<16xi32>,
        tpu.vector_store %arg9[%swap3A_401, %swap3A_402], %shift_right_logical3A_399 {strides = array<i32>} : memref<8x32xi32, #tpu.memory_space<vmem>>, vector<16xi32>,
        %dma_start3A = arith.constant 0 : i32
        %dma_start3A_404 = arith.constant 0 : i32
        %dma_start3A_405 = arith.constant 0 : i32
        %dma_start3A_406 = arith.constant 0 : i32
        %dma_start3A_407 = arith.constant 0 : i32
        %dma_start3A_408 = tpu.memref_slice %run_scoped3A_330[%dma_start3A_404, %dma_start3A_406, %dma_start3A_407] : memref<8x32x128xf32, #tpu.memory_space<vmem>> -> memref<1x32x128xf32, #tpu.memory_space<vmem>>
        %dma_start3A_409 = tpu.memref_squeeze %dma_start3A_408 : memref<1x32x128xf32, #tpu.memory_space<vmem>> -> memref<32x128xf32, #tpu.memory_space<vmem>>
        %dma_start3A_410 = arith.constant 0 : i32
        %dma_start3A_411 = tpu.memref_slice %arg8[%dma_start3A, %dma_start3A_410] : memref<8x32xi32, #tpu.memory_space<vmem>> -> memref<1x32xi32, #tpu.memory_space<vmem>>
        %dma_start3A_412 = tpu.memref_squeeze %dma_start3A_411 : memref<1x32xi32, #tpu.memory_space<vmem>> -> memref<32xi32, #tpu.memory_space<vmem>>
        %dma_start3A_413 = arith.constant 0 : i32
        %dma_start3A_414 = arith.constant 0 : i32
        %dma_start3A_415 = tpu.memref_slice %arg4[%dma_start3A_413, %dma_start3A_414] : memref<10000x128xf32, #tpu.memory_space<hbm>> -> memref<10000x128xf32, #tpu.memory_space<hbm>>
        %dma_start3A_416 = tpu.memref_slice %arg12[%dma_start3A_405] : memref<8x!tpu.dma_semaphore, #tpu.memory_space<semaphore_mem>> -> memref<1x!tpu.dma_semaphore, #tpu.memory_space<semaphore_mem>>
        %dma_start3A_417 = tpu.memref_squeeze %dma_start3A_416 : memref<1x!tpu.dma_semaphore, #tpu.memory_space<semaphore_mem>> -> memref<!tpu.dma_semaphore, #tpu.memory_space<semaphore_mem>>
        tpu.enqueue_indirect_dma source(%dma_start3A_415 : memref<10000x128xf32, #tpu.memory_space<hbm>>) target(%dma_start3A_409 : memref<32x128xf32, #tpu.memory_space<vmem>>) offsets(%dma_start3A_412 : memref<32xi32, #tpu.memory_space<vmem>>) semaphore(%dma_start3A_417 : memref<!tpu.dma_semaphore, #tpu.memory_space<semaphore_mem>>)
      } else {
      }
      %gt3A_333 = arith.constant 1 : i32
      %gt3A_334 = arith.cmpi sgt, %max3A_321, %gt3A_333 : i32
      %convert_element_type3A_335 = arith.extui %gt3A_334 : i1 to i32
      %cond3A_336 = arith.constant 0 : i32
      %cond3A_337 = arith.cmpi ne, %convert_element_type3A_335, %cond3A_336 : i32
      scf.if %cond3A_337 {
        %get3A = arith.constant 32 : index
        %get3A_374 = tpu.vector_load %arg7[%get3A] {strides = array<i32>} : memref<10240xi32, #tpu.memory_space<vmem>>, vector<16xi32>,
        %and3A_375 = arith.constant 16383 : i32
        %and3A_376 = vector.broadcast %and3A_375 : i32 to vector<16xi32>
        %and3A_377 = arith.andi %get3A_374, %and3A_376 : vector<16xi32>
        %swap3A_378 = arith.constant 1 : i32
        %swap3A_379 = arith.index_cast %swap3A_378 : i32 to index
        %swap3A_380 = arith.constant 0 : index
        %swap3A_381 = tpu.vector_load %arg8[%swap3A_379, %swap3A_380] {strides = array<i32>} : memref<8x32xi32, #tpu.memory_space<vmem>>, vector<16xi32>,
        tpu.vector_store %arg8[%swap3A_379, %swap3A_380], %and3A_377 {strides = array<i32>} : memref<8x32xi32, #tpu.memory_space<vmem>>, vector<16xi32>,
        %shift_right_logical3A = arith.constant 14 : i32
        %shift_right_logical3A_382 = vector.broadcast %shift_right_logical3A : i32 to vector<16xi32>
        %shift_right_logical3A_383 = arith.shrui %get3A_374, %shift_right_logical3A_382 : vector<16xi32>
        %swap3A_384 = arith.constant 1 : i32
        %swap3A_385 = arith.index_cast %swap3A_384 : i32 to index
        %swap3A_386 = arith.constant 0 : index
        %swap3A_387 = tpu.vector_load %arg9[%swap3A_385, %swap3A_386] {strides = array<i32>} : memref<8x32xi32, #tpu.memory_space<vmem>>, vector<16xi32>,
        tpu.vector_store %arg9[%swap3A_385, %swap3A_386], %shift_right_logical3A_383 {strides = array<i32>} : memref<8x32xi32, #tpu.memory_space<vmem>>, vector<16xi32>,
        %get3A_388 = arith.constant 48 : index
        %get3A_389 = tpu.vector_load %arg7[%get3A_388] {strides = array<i32>} : memref<10240xi32, #tpu.memory_space<vmem>>, vector<16xi32>,
        %and3A_390 = arith.constant 16383 : i32
        %and3A_391 = vector.broadcast %and3A_390 : i32 to vector<16xi32>
        %and3A_392 = arith.andi %get3A_389, %and3A_391 : vector<16xi32>
        %swap3A_393 = arith.constant 1 : i32
        %swap3A_394 = arith.index_cast %swap3A_393 : i32 to index
        %swap3A_395 = arith.constant 16 : index
        %swap3A_396 = tpu.vector_load %arg8[%swap3A_394, %swap3A_395] {strides = array<i32>} : memref<8x32xi32, #tpu.memory_space<vmem>>, vector<16xi32>,
        tpu.vector_store %arg8[%swap3A_394, %swap3A_395], %and3A_392 {strides = array<i32>} : memref<8x32xi32, #tpu.memory_space<vmem>>, vector<16xi32>,
        %shift_right_logical3A_397 = arith.constant 14 : i32
        %shift_right_logical3A_398 = vector.broadcast %shift_right_logical3A_397 : i32 to vector<16xi32>
        %shift_right_logical3A_399 = arith.shrui %get3A_389, %shift_right_logical3A_398 : vector<16xi32>
        %swap3A_400 = arith.constant 1 : i32
        %swap3A_401 = arith.index_cast %swap3A_400 : i32 to index
        %swap3A_402 = arith.constant 16 : index
        %swap3A_403 = tpu.vector_load %arg9[%swap3A_401, %swap3A_402] {strides = array<i32>} : memref<8x32xi32, #tpu.memory_space<vmem>>, vector<16xi32>,
        tpu.vector_store %arg9[%swap3A_401, %swap3A_402], %shift_right_logical3A_399 {strides = array<i32>} : memref<8x32xi32, #tpu.memory_space<vmem>>, vector<16xi32>,
        %dma_start3A = arith.constant 1 : i32
        %dma_start3A_404 = arith.constant 1 : i32
        %dma_start3A_405 = arith.constant 1 : i32
        %dma_start3A_406 = arith.constant 0 : i32
        %dma_start3A_407 = arith.constant 0 : i32
        %dma_start3A_408 = tpu.memref_slice %run_scoped3A_330[%dma_start3A_404, %dma_start3A_406, %dma_start3A_407] : memref<8x32x128xf32, #tpu.memory_space<vmem>> -> memref<1x32x128xf32, #tpu.memory_space<vmem>>
        %dma_start3A_409 = tpu.memref_squeeze %dma_start3A_408 : memref<1x32x128xf32, #tpu.memory_space<vmem>> -> memref<32x128xf32, #tpu.memory_space<vmem>>
        %dma_start3A_410 = arith.constant 0 : i32
        %dma_start3A_411 = tpu.memref_slice %arg8[%dma_start3A, %dma_start3A_410] : memref<8x32xi32, #tpu.memory_space<vmem>> -> memref<1x32xi32, #tpu.memory_space<vmem>>
        %dma_start3A_412 = tpu.memref_squeeze %dma_start3A_411 : memref<1x32xi32, #tpu.memory_space<vmem>> -> memref<32xi32, #tpu.memory_space<vmem>>
        %dma_start3A_413 = arith.constant 0 : i32
        %dma_start3A_414 = arith.constant 0 : i32
        %dma_start3A_415 = tpu.memref_slice %arg4[%dma_start3A_413, %dma_start3A_414] : memref<10000x128xf32, #tpu.memory_space<hbm>> -> memref<10000x128xf32, #tpu.memory_space<hbm>>
        %dma_start3A_416 = tpu.memref_slice %arg12[%dma_start3A_405] : memref<8x!tpu.dma_semaphore, #tpu.memory_space<semaphore_mem>> -> memref<1x!tpu.dma_semaphore, #tpu.memory_space<semaphore_mem>>
        %dma_start3A_417 = tpu.memref_squeeze %dma_start3A_416 : memref<1x!tpu.dma_semaphore, #tpu.memory_space<semaphore_mem>> -> memref<!tpu.dma_semaphore, #tpu.memory_space<semaphore_mem>>
        tpu.enqueue_indirect_dma source(%dma_start3A_415 : memref<10000x128xf32, #tpu.memory_space<hbm>>) target(%dma_start3A_409 : memref<32x128xf32, #tpu.memory_space<vmem>>) offsets(%dma_start3A_412 : memref<32xi32, #tpu.memory_space<vmem>>) semaphore(%dma_start3A_417 : memref<!tpu.dma_semaphore, #tpu.memory_space<semaphore_mem>>)
      } else {
      }
      %gt3A_338 = arith.constant 2 : i32
      %gt3A_339 = arith.cmpi sgt, %max3A_321, %gt3A_338 : i32
      %convert_element_type3A_340 = arith.extui %gt3A_339 : i1 to i32
      %cond3A_341 = arith.constant 0 : i32
      %cond3A_342 = arith.cmpi ne, %convert_element_type3A_340, %cond3A_341 : i32
      scf.if %cond3A_342 {
        %get3A = arith.constant 64 : index
        %get3A_374 = tpu.vector_load %arg7[%get3A] {strides = array<i32>} : memref<10240xi32, #tpu.memory_space<vmem>>, vector<16xi32>,
        %and3A_375 = arith.constant 16383 : i32
        %and3A_376 = vector.broadcast %and3A_375 : i32 to vector<16xi32>
        %and3A_377 = arith.andi %get3A_374, %and3A_376 : vector<16xi32>
        %swap3A_378 = arith.constant 2 : i32
        %swap3A_379 = arith.index_cast %swap3A_378 : i32 to index
        %swap3A_380 = arith.constant 0 : index
        %swap3A_381 = tpu.vector_load %arg8[%swap3A_379, %swap3A_380] {strides = array<i32>} : memref<8x32xi32, #tpu.memory_space<vmem>>, vector<16xi32>,
        tpu.vector_store %arg8[%swap3A_379, %swap3A_380], %and3A_377 {strides = array<i32>} : memref<8x32xi32, #tpu.memory_space<vmem>>, vector<16xi32>,
        %shift_right_logical3A = arith.constant 14 : i32
        %shift_right_logical3A_382 = vector.broadcast %shift_right_logical3A : i32 to vector<16xi32>
        %shift_right_logical3A_383 = arith.shrui %get3A_374, %shift_right_logical3A_382 : vector<16xi32>
        %swap3A_384 = arith.constant 2 : i32
        %swap3A_385 = arith.index_cast %swap3A_384 : i32 to index
        %swap3A_386 = arith.constant 0 : index
        %swap3A_387 = tpu.vector_load %arg9[%swap3A_385, %swap3A_386] {strides = array<i32>} : memref<8x32xi32, #tpu.memory_space<vmem>>, vector<16xi32>,
        tpu.vector_store %arg9[%swap3A_385, %swap3A_386], %shift_right_logical3A_383 {strides = array<i32>} : memref<8x32xi32, #tpu.memory_space<vmem>>, vector<16xi32>,
        %get3A_388 = arith.constant 80 : index
        %get3A_389 = tpu.vector_load %arg7[%get3A_388] {strides = array<i32>} : memref<10240xi32, #tpu.memory_space<vmem>>, vector<16xi32>,
        %and3A_390 = arith.constant 16383 : i32
        %and3A_391 = vector.broadcast %and3A_390 : i32 to vector<16xi32>
        %and3A_392 = arith.andi %get3A_389, %and3A_391 : vector<16xi32>
        %swap3A_393 = arith.constant 2 : i32
        %swap3A_394 = arith.index_cast %swap3A_393 : i32 to index
        %swap3A_395 = arith.constant 16 : index
        %swap3A_396 = tpu.vector_load %arg8[%swap3A_394, %swap3A_395] {strides = array<i32>} : memref<8x32xi32, #tpu.memory_space<vmem>>, vector<16xi32>,
        tpu.vector_store %arg8[%swap3A_394, %swap3A_395], %and3A_392 {strides = array<i32>} : memref<8x32xi32, #tpu.memory_space<vmem>>, vector<16xi32>,
        %shift_right_logical3A_397 = arith.constant 14 : i32
        %shift_right_logical3A_398 = vector.broadcast %shift_right_logical3A_397 : i32 to vector<16xi32>
        %shift_right_logical3A_399 = arith.shrui %get3A_389, %shift_right_logical3A_398 : vector<16xi32>
        %swap3A_400 = arith.constant 2 : i32
        %swap3A_401 = arith.index_cast %swap3A_400 : i32 to index
        %swap3A_402 = arith.constant 16 : index
        %swap3A_403 = tpu.vector_load %arg9[%swap3A_401, %swap3A_402] {strides = array<i32>} : memref<8x32xi32, #tpu.memory_space<vmem>>, vector<16xi32>,
        tpu.vector_store %arg9[%swap3A_401, %swap3A_402], %shift_right_logical3A_399 {strides = array<i32>} : memref<8x32xi32, #tpu.memory_space<vmem>>, vector<16xi32>,
        %dma_start3A = arith.constant 2 : i32
        %dma_start3A_404 = arith.constant 2 : i32
        %dma_start3A_405 = arith.constant 2 : i32
        %dma_start3A_406 = arith.constant 0 : i32
        %dma_start3A_407 = arith.constant 0 : i32
        %dma_start3A_408 = tpu.memref_slice %run_scoped3A_330[%dma_start3A_404, %dma_start3A_406, %dma_start3A_407] : memref<8x32x128xf32, #tpu.memory_space<vmem>> -> memref<1x32x128xf32, #tpu.memory_space<vmem>>
        %dma_start3A_409 = tpu.memref_squeeze %dma_start3A_408 : memref<1x32x128xf32, #tpu.memory_space<vmem>> -> memref<32x128xf32, #tpu.memory_space<vmem>>
        %dma_start3A_410 = arith.constant 0 : i32
        %dma_start3A_411 = tpu.memref_slice %arg8[%dma_start3A, %dma_start3A_410] : memref<8x32xi32, #tpu.memory_space<vmem>> -> memref<1x32xi32, #tpu.memory_space<vmem>>
        %dma_start3A_412 = tpu.memref_squeeze %dma_start3A_411 : memref<1x32xi32, #tpu.memory_space<vmem>> -> memref<32xi32, #tpu.memory_space<vmem>>
        %dma_start3A_413 = arith.constant 0 : i32
        %dma_start3A_414 = arith.constant 0 : i32
        %dma_start3A_415 = tpu.memref_slice %arg4[%dma_start3A_413, %dma_start3A_414] : memref<10000x128xf32, #tpu.memory_space<hbm>> -> memref<10000x128xf32, #tpu.memory_space<hbm>>
        %dma_start3A_416 = tpu.memref_slice %arg12[%dma_start3A_405] : memref<8x!tpu.dma_semaphore, #tpu.memory_space<semaphore_mem>> -> memref<1x!tpu.dma_semaphore, #tpu.memory_space<semaphore_mem>>
        %dma_start3A_417 = tpu.memref_squeeze %dma_start3A_416 : memref<1x!tpu.dma_semaphore, #tpu.memory_space<semaphore_mem>> -> memref<!tpu.dma_semaphore, #tpu.memory_space<semaphore_mem>>
        tpu.enqueue_indirect_dma source(%dma_start3A_415 : memref<10000x128xf32, #tpu.memory_space<hbm>>) target(%dma_start3A_409 : memref<32x128xf32, #tpu.memory_space<vmem>>) offsets(%dma_start3A_412 : memref<32xi32, #tpu.memory_space<vmem>>) semaphore(%dma_start3A_417 : memref<!tpu.dma_semaphore, #tpu.memory_space<semaphore_mem>>)
      } else {
      }
      %gt3A_343 = arith.constant 3 : i32
      %gt3A_344 = arith.cmpi sgt, %max3A_321, %gt3A_343 : i32
      %convert_element_type3A_345 = arith.extui %gt3A_344 : i1 to i32
      %cond3A_346 = arith.constant 0 : i32
      %cond3A_347 = arith.cmpi ne, %convert_element_type3A_345, %cond3A_346 : i32
      scf.if %cond3A_347 {
        %get3A = arith.constant 96 : index
        %get3A_374 = tpu.vector_load %arg7[%get3A] {strides = array<i32>} : memref<10240xi32, #tpu.memory_space<vmem>>, vector<16xi32>,
        %and3A_375 = arith.constant 16383 : i32
        %and3A_376 = vector.broadcast %and3A_375 : i32 to vector<16xi32>
        %and3A_377 = arith.andi %get3A_374, %and3A_376 : vector<16xi32>
        %swap3A_378 = arith.constant 3 : i32
        %swap3A_379 = arith.index_cast %swap3A_378 : i32 to index
        %swap3A_380 = arith.constant 0 : index
        %swap3A_381 = tpu.vector_load %arg8[%swap3A_379, %swap3A_380] {strides = array<i32>} : memref<8x32xi32, #tpu.memory_space<vmem>>, vector<16xi32>,
        tpu.vector_store %arg8[%swap3A_379, %swap3A_380], %and3A_377 {strides = array<i32>} : memref<8x32xi32, #tpu.memory_space<vmem>>, vector<16xi32>,
        %shift_right_logical3A = arith.constant 14 : i32
        %shift_right_logical3A_382 = vector.broadcast %shift_right_logical3A : i32 to vector<16xi32>
        %shift_right_logical3A_383 = arith.shrui %get3A_374, %shift_right_logical3A_382 : vector<16xi32>
        %swap3A_384 = arith.constant 3 : i32
        %swap3A_385 = arith.index_cast %swap3A_384 : i32 to index
        %swap3A_386 = arith.constant 0 : index
        %swap3A_387 = tpu.vector_load %arg9[%swap3A_385, %swap3A_386] {strides = array<i32>} : memref<8x32xi32, #tpu.memory_space<vmem>>, vector<16xi32>,
        tpu.vector_store %arg9[%swap3A_385, %swap3A_386], %shift_right_logical3A_383 {strides = array<i32>} : memref<8x32xi32, #tpu.memory_space<vmem>>, vector<16xi32>,
        %get3A_388 = arith.constant 112 : index
        %get3A_389 = tpu.vector_load %arg7[%get3A_388] {strides = array<i32>} : memref<10240xi32, #tpu.memory_space<vmem>>, vector<16xi32>,
        %and3A_390 = arith.constant 16383 : i32
        %and3A_391 = vector.broadcast %and3A_390 : i32 to vector<16xi32>
        %and3A_392 = arith.andi %get3A_389, %and3A_391 : vector<16xi32>
        %swap3A_393 = arith.constant 3 : i32
        %swap3A_394 = arith.index_cast %swap3A_393 : i32 to index
        %swap3A_395 = arith.constant 16 : index
        %swap3A_396 = tpu.vector_load %arg8[%swap3A_394, %swap3A_395] {strides = array<i32>} : memref<8x32xi32, #tpu.memory_space<vmem>>, vector<16xi32>,
        tpu.vector_store %arg8[%swap3A_394, %swap3A_395], %and3A_392 {strides = array<i32>} : memref<8x32xi32, #tpu.memory_space<vmem>>, vector<16xi32>,
        %shift_right_logical3A_397 = arith.constant 14 : i32
        %shift_right_logical3A_398 = vector.broadcast %shift_right_logical3A_397 : i32 to vector<16xi32>
        %shift_right_logical3A_399 = arith.shrui %get3A_389, %shift_right_logical3A_398 : vector<16xi32>
        %swap3A_400 = arith.constant 3 : i32
        %swap3A_401 = arith.index_cast %swap3A_400 : i32 to index
        %swap3A_402 = arith.constant 16 : index
        %swap3A_403 = tpu.vector_load %arg9[%swap3A_401, %swap3A_402] {strides = array<i32>} : memref<8x32xi32, #tpu.memory_space<vmem>>, vector<16xi32>,
        tpu.vector_store %arg9[%swap3A_401, %swap3A_402], %shift_right_logical3A_399 {strides = array<i32>} : memref<8x32xi32, #tpu.memory_space<vmem>>, vector<16xi32>,
        %dma_start3A = arith.constant 3 : i32
        %dma_start3A_404 = arith.constant 3 : i32
        %dma_start3A_405 = arith.constant 3 : i32
        %dma_start3A_406 = arith.constant 0 : i32
        %dma_start3A_407 = arith.constant 0 : i32
        %dma_start3A_408 = tpu.memref_slice %run_scoped3A_330[%dma_start3A_404, %dma_start3A_406, %dma_start3A_407] : memref<8x32x128xf32, #tpu.memory_space<vmem>> -> memref<1x32x128xf32, #tpu.memory_space<vmem>>
        %dma_start3A_409 = tpu.memref_squeeze %dma_start3A_408 : memref<1x32x128xf32, #tpu.memory_space<vmem>> -> memref<32x128xf32, #tpu.memory_space<vmem>>
        %dma_start3A_410 = arith.constant 0 : i32
        %dma_start3A_411 = tpu.memref_slice %arg8[%dma_start3A, %dma_start3A_410] : memref<8x32xi32, #tpu.memory_space<vmem>> -> memref<1x32xi32, #tpu.memory_space<vmem>>
        %dma_start3A_412 = tpu.memref_squeeze %dma_start3A_411 : memref<1x32xi32, #tpu.memory_space<vmem>> -> memref<32xi32, #tpu.memory_space<vmem>>
        %dma_start3A_413 = arith.constant 0 : i32
        %dma_start3A_414 = arith.constant 0 : i32
        %dma_start3A_415 = tpu.memref_slice %arg4[%dma_start3A_413, %dma_start3A_414] : memref<10000x128xf32, #tpu.memory_space<hbm>> -> memref<10000x128xf32, #tpu.memory_space<hbm>>
        %dma_start3A_416 = tpu.memref_slice %arg12[%dma_start3A_405] : memref<8x!tpu.dma_semaphore, #tpu.memory_space<semaphore_mem>> -> memref<1x!tpu.dma_semaphore, #tpu.memory_space<semaphore_mem>>
        %dma_start3A_417 = tpu.memref_squeeze %dma_start3A_416 : memref<1x!tpu.dma_semaphore, #tpu.memory_space<semaphore_mem>> -> memref<!tpu.dma_semaphore, #tpu.memory_space<semaphore_mem>>
        tpu.enqueue_indirect_dma source(%dma_start3A_415 : memref<10000x128xf32, #tpu.memory_space<hbm>>) target(%dma_start3A_409 : memref<32x128xf32, #tpu.memory_space<vmem>>) offsets(%dma_start3A_412 : memref<32xi32, #tpu.memory_space<vmem>>) semaphore(%dma_start3A_417 : memref<!tpu.dma_semaphore, #tpu.memory_space<semaphore_mem>>)
      } else {
      }
      %while3A = arith.constant 0 : i32
      %while3A_348 = arith.constant 0 : i32
      %while3A_349 = arith.subi %max3A_321, %while3A : i32
      %while3A_350 = arith.addi %while3A, %while3A_349 : i32
      %while3A_351 = arith.constant 1 : i32
      %while3A_352 = arith.divsi %while3A_349, %while3A_351 : i32
      %while3A_353 = arith.muli %while3A_352, %while3A_351 : i32
      %while3A_354 = arith.addi %while3A, %while3A_353 : i32
      %while3A_355 = arith.constant 1 : i32
      %while3A_356 = scf.for %while3A_374 = %while3A to %while3A_354 step %while3A_355 iter_args(%while3A_375 = %while3A_348) -> (i32)  : i32 {
        %rem3A_376 = arith.constant 8 : i32
        %rem3A_377 = arith.remsi %while3A_374, %rem3A_376 : i32
        %dma_wait3A = arith.constant 0 : i32
        %dma_wait3A_378 = arith.constant 0 : i32
        %dma_wait3A_379 = tpu.memref_slice %run_scoped3A_330[%rem3A_377, %dma_wait3A, %dma_wait3A_378] : memref<8x32x128xf32, #tpu.memory_space<vmem>> -> memref<1x32x128xf32, #tpu.memory_space<vmem>>
        %dma_wait3A_380 = tpu.memref_squeeze %dma_wait3A_379 : memref<1x32x128xf32, #tpu.memory_space<vmem>> -> memref<32x128xf32, #tpu.memory_space<vmem>>
        %dma_wait3A_381 = arith.constant 0 : i32
        %dma_wait3A_382 = tpu.memref_slice %arg8[%rem3A_377, %dma_wait3A_381] : memref<8x32xi32, #tpu.memory_space<vmem>> -> memref<1x32xi32, #tpu.memory_space<vmem>>
        %dma_wait3A_383 = tpu.memref_squeeze %dma_wait3A_382 : memref<1x32xi32, #tpu.memory_space<vmem>> -> memref<32xi32, #tpu.memory_space<vmem>>
        %dma_wait3A_384 = arith.constant 0 : i32
        %dma_wait3A_385 = arith.constant 0 : i32
        %dma_wait3A_386 = tpu.memref_slice %arg4[%dma_wait3A_384, %dma_wait3A_385] : memref<10000x128xf32, #tpu.memory_space<hbm>> -> memref<10000x128xf32, #tpu.memory_space<hbm>>
        %dma_wait3A_387 = tpu.memref_slice %arg12[%rem3A_377] : memref<8x!tpu.dma_semaphore, #tpu.memory_space<semaphore_mem>> -> memref<1x!tpu.dma_semaphore, #tpu.memory_space<semaphore_mem>>
        %dma_wait3A_388 = tpu.memref_squeeze %dma_wait3A_387 : memref<1x!tpu.dma_semaphore, #tpu.memory_space<semaphore_mem>> -> memref<!tpu.dma_semaphore, #tpu.memory_space<semaphore_mem>>
        tpu.wait_indirect_dma semaphore(%dma_wait3A_388 : memref<!tpu.dma_semaphore, #tpu.memory_space<semaphore_mem>>) src(%dma_wait3A_386 : memref<10000x128xf32, #tpu.memory_space<hbm>>) dst(%dma_wait3A_380 : memref<32x128xf32, #tpu.memory_space<vmem>>)
        %dma_start3A = arith.constant 0 : i32
        %dma_start3A_389 = arith.constant 0 : i32
        %dma_start3A_390 = tpu.memref_slice %run_scoped3A_330[%rem3A_377, %dma_start3A, %dma_start3A_389] : memref<8x32x128xf32, #tpu.memory_space<vmem>> -> memref<1x32x128xf32, #tpu.memory_space<vmem>>
        %dma_start3A_391 = tpu.memref_squeeze %dma_start3A_390 : memref<1x32x128xf32, #tpu.memory_space<vmem>> -> memref<32x128xf32, #tpu.memory_space<vmem>>
        %dma_start3A_392 = arith.constant 0 : i32
        %dma_start3A_393 = tpu.memref_slice %arg9[%rem3A_377, %dma_start3A_392] : memref<8x32xi32, #tpu.memory_space<vmem>> -> memref<1x32xi32, #tpu.memory_space<vmem>>
        %dma_start3A_394 = tpu.memref_squeeze %dma_start3A_393 : memref<1x32xi32, #tpu.memory_space<vmem>> -> memref<32xi32, #tpu.memory_space<vmem>>
        %dma_start3A_395 = arith.constant 0 : i32
        %dma_start3A_396 = arith.constant 0 : i32
        %dma_start3A_397 = tpu.memref_slice %arg11[%dma_start3A_395, %dma_start3A_396] : memref<10112x128xf32, #tpu.memory_space<vmem_shared>> -> memref<10112x128xf32, #tpu.memory_space<vmem_shared>>
        %dma_start3A_398 = tpu.memref_slice %arg13[%rem3A_377] : memref<8x!tpu.dma_semaphore, #tpu.memory_space<semaphore_mem>> -> memref<1x!tpu.dma_semaphore, #tpu.memory_space<semaphore_mem>>
        %dma_start3A_399 = tpu.memref_squeeze %dma_start3A_398 : memref<1x!tpu.dma_semaphore, #tpu.memory_space<semaphore_mem>> -> memref<!tpu.dma_semaphore, #tpu.memory_space<semaphore_mem>>
        tpu.enqueue_indirect_dma source(%dma_start3A_391 : memref<32x128xf32, #tpu.memory_space<vmem>>) target(%dma_start3A_397 : memref<10112x128xf32, #tpu.memory_space<vmem_shared>>) offsets(%dma_start3A_394 : memref<32xi32, #tpu.memory_space<vmem>>) semaphore(%dma_start3A_399 : memref<!tpu.dma_semaphore, #tpu.memory_space<semaphore_mem>>) {add = true}
        %add3A_400 = arith.constant 4 : i32
        %add3A_401 = arith.addi %while3A_374, %add3A_400 : i32
        %lt3A = arith.cmpi slt, %add3A_401, %max3A_321 : i32
        %convert_element_type3A_402 = arith.extui %lt3A : i1 to i32
        %cond3A_403 = arith.constant 0 : i32
        %cond3A_404 = arith.cmpi ne, %convert_element_type3A_402, %cond3A_403 : i32
        scf.if %cond3A_404 {
          %ge3A = arith.constant 4 : i32
          %ge3A_406 = arith.cmpi sge, %while3A_374, %ge3A : i32
          %convert_element_type3A_407 = arith.extui %ge3A_406 : i1 to i32
          %cond3A_408 = arith.constant 0 : i32
          %cond3A_409 = arith.cmpi ne, %convert_element_type3A_407, %cond3A_408 : i32
          scf.if %cond3A_409 {
            %sub3A_462 = arith.constant 4 : i32
            %sub3A_463 = arith.subi %while3A_374, %sub3A_462 : i32
            %rem3A_464 = arith.constant 8 : i32
            %rem3A_465 = arith.remsi %sub3A_463, %rem3A_464 : i32
            %dma_wait3A_466 = arith.constant 0 : i32
            %dma_wait3A_467 = arith.constant 0 : i32
            %dma_wait3A_468 = tpu.memref_slice %run_scoped3A_330[%rem3A_465, %dma_wait3A_466, %dma_wait3A_467] : memref<8x32x128xf32, #tpu.memory_space<vmem>> -> memref<1x32x128xf32, #tpu.memory_space<vmem>>
            %dma_wait3A_469 = tpu.memref_squeeze %dma_wait3A_468 : memref<1x32x128xf32, #tpu.memory_space<vmem>> -> memref<32x128xf32, #tpu.memory_space<vmem>>
            %dma_wait3A_470 = arith.constant 0 : i32
            %dma_wait3A_471 = tpu.memref_slice %arg9[%rem3A_465, %dma_wait3A_470] : memref<8x32xi32, #tpu.memory_space<vmem>> -> memref<1x32xi32, #tpu.memory_space<vmem>>
            %dma_wait3A_472 = tpu.memref_squeeze %dma_wait3A_471 : memref<1x32xi32, #tpu.memory_space<vmem>> -> memref<32xi32, #tpu.memory_space<vmem>>
            %dma_wait3A_473 = arith.constant 0 : i32
            %dma_wait3A_474 = arith.constant 0 : i32
            %dma_wait3A_475 = tpu.memref_slice %arg11[%dma_wait3A_473, %dma_wait3A_474] : memref<10112x128xf32, #tpu.memory_space<vmem_shared>> -> memref<10112x128xf32, #tpu.memory_space<vmem_shared>>
            %dma_wait3A_476 = tpu.memref_slice %arg13[%rem3A_465] : memref<8x!tpu.dma_semaphore, #tpu.memory_space<semaphore_mem>> -> memref<1x!tpu.dma_semaphore, #tpu.memory_space<semaphore_mem>>
            %dma_wait3A_477 = tpu.memref_squeeze %dma_wait3A_476 : memref<1x!tpu.dma_semaphore, #tpu.memory_space<semaphore_mem>> -> memref<!tpu.dma_semaphore, #tpu.memory_space<semaphore_mem>>
            tpu.wait_indirect_dma semaphore(%dma_wait3A_477 : memref<!tpu.dma_semaphore, #tpu.memory_space<semaphore_mem>>) src(%dma_wait3A_469 : memref<32x128xf32, #tpu.memory_space<vmem>>) dst(%dma_wait3A_475 : memref<10112x128xf32, #tpu.memory_space<vmem_shared>>)
          } else {
          }
          %add3A_410 = arith.constant 4 : i32
          %add3A_411 = arith.addi %while3A_374, %add3A_410 : i32
          %rem3A_412 = arith.constant 8 : i32
          %rem3A_413 = arith.remsi %add3A_411, %rem3A_412 : i32
          %add3A_414 = arith.constant 4 : i32
          %add3A_415 = arith.addi %while3A_374, %add3A_414 : i32
          %mul3A_416 = arith.constant 32 : i32
          %mul3A_417 = arith.muli %add3A_415, %mul3A_416 : i32
          %add3A_418 = arith.constant 0 : i32
          %add3A_419 = arith.addi %mul3A_417, %add3A_418 : i32
          %get3A = arith.index_cast %add3A_419 : i32 to index
          %get3A_420 = tpu.vector_load %arg7[%get3A] {strides = array<i32>} : memref<10240xi32, #tpu.memory_space<vmem>>, vector<16xi32>,
          %and3A_421 = arith.constant 16383 : i32
          %and3A_422 = vector.broadcast %and3A_421 : i32 to vector<16xi32>
          %and3A_423 = arith.andi %get3A_420, %and3A_422 : vector<16xi32>
          %swap3A_424 = arith.index_cast %rem3A_413 : i32 to index
          %swap3A_425 = arith.constant 0 : index
          %swap3A_426 = tpu.vector_load %arg8[%swap3A_424, %swap3A_425] {strides = array<i32>} : memref<8x32xi32, #tpu.memory_space<vmem>>, vector<16xi32>,
          tpu.vector_store %arg8[%swap3A_424, %swap3A_425], %and3A_423 {strides = array<i32>} : memref<8x32xi32, #tpu.memory_space<vmem>>, vector<16xi32>,
          %shift_right_logical3A = arith.constant 14 : i32
          %shift_right_logical3A_427 = vector.broadcast %shift_right_logical3A : i32 to vector<16xi32>
          %shift_right_logical3A_428 = arith.shrui %get3A_420, %shift_right_logical3A_427 : vector<16xi32>
          %swap3A_429 = arith.index_cast %rem3A_413 : i32 to index
          %swap3A_430 = arith.constant 0 : index
          %swap3A_431 = tpu.vector_load %arg9[%swap3A_429, %swap3A_430] {strides = array<i32>} : memref<8x32xi32, #tpu.memory_space<vmem>>, vector<16xi32>,
          tpu.vector_store %arg9[%swap3A_429, %swap3A_430], %shift_right_logical3A_428 {strides = array<i32>} : memref<8x32xi32, #tpu.memory_space<vmem>>, vector<16xi32>,
          %mul3A_432 = arith.constant 32 : i32
          %mul3A_433 = arith.muli %add3A_415, %mul3A_432 : i32
          %add3A_434 = arith.constant 16 : i32
          %add3A_435 = arith.addi %mul3A_433, %add3A_434 : i32
          %get3A_436 = arith.index_cast %add3A_435 : i32 to index
          %get3A_437 = tpu.vector_load %arg7[%get3A_436] {strides = array<i32>} : memref<10240xi32, #tpu.memory_space<vmem>>, vector<16xi32>,
          %and3A_438 = arith.constant 16383 : i32
          %and3A_439 = vector.broadcast %and3A_438 : i32 to vector<16xi32>
          %and3A_440 = arith.andi %get3A_437, %and3A_439 : vector<16xi32>
          %swap3A_441 = arith.index_cast %rem3A_413 : i32 to index
          %swap3A_442 = arith.constant 16 : index
          %swap3A_443 = tpu.vector_load %arg8[%swap3A_441, %swap3A_442] {strides = array<i32>} : memref<8x32xi32, #tpu.memory_space<vmem>>, vector<16xi32>,
          tpu.vector_store %arg8[%swap3A_441, %swap3A_442], %and3A_440 {strides = array<i32>} : memref<8x32xi32, #tpu.memory_space<vmem>>, vector<16xi32>,
          %shift_right_logical3A_444 = arith.constant 14 : i32
          %shift_right_logical3A_445 = vector.broadcast %shift_right_logical3A_444 : i32 to vector<16xi32>
          %shift_right_logical3A_446 = arith.shrui %get3A_437, %shift_right_logical3A_445 : vector<16xi32>
          %swap3A_447 = arith.index_cast %rem3A_413 : i32 to index
          %swap3A_448 = arith.constant 16 : index
          %swap3A_449 = tpu.vector_load %arg9[%swap3A_447, %swap3A_448] {strides = array<i32>} : memref<8x32xi32, #tpu.memory_space<vmem>>, vector<16xi32>,
          tpu.vector_store %arg9[%swap3A_447, %swap3A_448], %shift_right_logical3A_446 {strides = array<i32>} : memref<8x32xi32, #tpu.memory_space<vmem>>, vector<16xi32>,
          %dma_start3A_450 = arith.constant 0 : i32
          %dma_start3A_451 = arith.constant 0 : i32
          %dma_start3A_452 = tpu.memref_slice %run_scoped3A_330[%rem3A_413, %dma_start3A_450, %dma_start3A_451] : memref<8x32x128xf32, #tpu.memory_space<vmem>> -> memref<1x32x128xf32, #tpu.memory_space<vmem>>
          %dma_start3A_453 = tpu.memref_squeeze %dma_start3A_452 : memref<1x32x128xf32, #tpu.memory_space<vmem>> -> memref<32x128xf32, #tpu.memory_space<vmem>>
          %dma_start3A_454 = arith.constant 0 : i32
          %dma_start3A_455 = tpu.memref_slice %arg8[%rem3A_413, %dma_start3A_454] : memref<8x32xi32, #tpu.memory_space<vmem>> -> memref<1x32xi32, #tpu.memory_space<vmem>>
          %dma_start3A_456 = tpu.memref_squeeze %dma_start3A_455 : memref<1x32xi32, #tpu.memory_space<vmem>> -> memref<32xi32, #tpu.memory_space<vmem>>
          %dma_start3A_457 = arith.constant 0 : i32
          %dma_start3A_458 = arith.constant 0 : i32
          %dma_start3A_459 = tpu.memref_slice %arg4[%dma_start3A_457, %dma_start3A_458] : memref<10000x128xf32, #tpu.memory_space<hbm>> -> memref<10000x128xf32, #tpu.memory_space<hbm>>
          %dma_start3A_460 = tpu.memref_slice %arg12[%rem3A_413] : memref<8x!tpu.dma_semaphore, #tpu.memory_space<semaphore_mem>> -> memref<1x!tpu.dma_semaphore, #tpu.memory_space<semaphore_mem>>
          %dma_start3A_461 = tpu.memref_squeeze %dma_start3A_460 : memref<1x!tpu.dma_semaphore, #tpu.memory_space<semaphore_mem>> -> memref<!tpu.dma_semaphore, #tpu.memory_space<semaphore_mem>>
          tpu.enqueue_indirect_dma source(%dma_start3A_459 : memref<10000x128xf32, #tpu.memory_space<hbm>>) target(%dma_start3A_453 : memref<32x128xf32, #tpu.memory_space<vmem>>) offsets(%dma_start3A_456 : memref<32xi32, #tpu.memory_space<vmem>>) semaphore(%dma_start3A_461 : memref<!tpu.dma_semaphore, #tpu.memory_space<semaphore_mem>>)
        } else {
        }
        %while3A_405 = arith.constant 0 : i32
        scf.yield %while3A_405 : i32
      }
      %while3A_357 = arith.constant 1 : i32
      %while3A_358 = scf.for %while3A_374 = %while3A_354 to %while3A_350 step %while3A_357 iter_args(%while3A_375 = %while3A_356) -> (i32)  : i32 {
        %rem3A_376 = arith.constant 8 : i32
        %rem3A_377 = arith.remsi %while3A_374, %rem3A_376 : i32
        %dma_wait3A = arith.constant 0 : i32
        %dma_wait3A_378 = arith.constant 0 : i32
        %dma_wait3A_379 = tpu.memref_slice %run_scoped3A_330[%rem3A_377, %dma_wait3A, %dma_wait3A_378] : memref<8x32x128xf32, #tpu.memory_space<vmem>> -> memref<1x32x128xf32, #tpu.memory_space<vmem>>
        %dma_wait3A_380 = tpu.memref_squeeze %dma_wait3A_379 : memref<1x32x128xf32, #tpu.memory_space<vmem>> -> memref<32x128xf32, #tpu.memory_space<vmem>>
        %dma_wait3A_381 = arith.constant 0 : i32
        %dma_wait3A_382 = tpu.memref_slice %arg8[%rem3A_377, %dma_wait3A_381] : memref<8x32xi32, #tpu.memory_space<vmem>> -> memref<1x32xi32, #tpu.memory_space<vmem>>
        %dma_wait3A_383 = tpu.memref_squeeze %dma_wait3A_382 : memref<1x32xi32, #tpu.memory_space<vmem>> -> memref<32xi32, #tpu.memory_space<vmem>>
        %dma_wait3A_384 = arith.constant 0 : i32
        %dma_wait3A_385 = arith.constant 0 : i32
        %dma_wait3A_386 = tpu.memref_slice %arg4[%dma_wait3A_384, %dma_wait3A_385] : memref<10000x128xf32, #tpu.memory_space<hbm>> -> memref<10000x128xf32, #tpu.memory_space<hbm>>
        %dma_wait3A_387 = tpu.memref_slice %arg12[%rem3A_377] : memref<8x!tpu.dma_semaphore, #tpu.memory_space<semaphore_mem>> -> memref<1x!tpu.dma_semaphore, #tpu.memory_space<semaphore_mem>>
        %dma_wait3A_388 = tpu.memref_squeeze %dma_wait3A_387 : memref<1x!tpu.dma_semaphore, #tpu.memory_space<semaphore_mem>> -> memref<!tpu.dma_semaphore, #tpu.memory_space<semaphore_mem>>
        tpu.wait_indirect_dma semaphore(%dma_wait3A_388 : memref<!tpu.dma_semaphore, #tpu.memory_space<semaphore_mem>>) src(%dma_wait3A_386 : memref<10000x128xf32, #tpu.memory_space<hbm>>) dst(%dma_wait3A_380 : memref<32x128xf32, #tpu.memory_space<vmem>>)
        %dma_start3A = arith.constant 0 : i32
        %dma_start3A_389 = arith.constant 0 : i32
        %dma_start3A_390 = tpu.memref_slice %run_scoped3A_330[%rem3A_377, %dma_start3A, %dma_start3A_389] : memref<8x32x128xf32, #tpu.memory_space<vmem>> -> memref<1x32x128xf32, #tpu.memory_space<vmem>>
        %dma_start3A_391 = tpu.memref_squeeze %dma_start3A_390 : memref<1x32x128xf32, #tpu.memory_space<vmem>> -> memref<32x128xf32, #tpu.memory_space<vmem>>
        %dma_start3A_392 = arith.constant 0 : i32
        %dma_start3A_393 = tpu.memref_slice %arg9[%rem3A_377, %dma_start3A_392] : memref<8x32xi32, #tpu.memory_space<vmem>> -> memref<1x32xi32, #tpu.memory_space<vmem>>
        %dma_start3A_394 = tpu.memref_squeeze %dma_start3A_393 : memref<1x32xi32, #tpu.memory_space<vmem>> -> memref<32xi32, #tpu.memory_space<vmem>>
        %dma_start3A_395 = arith.constant 0 : i32
        %dma_start3A_396 = arith.constant 0 : i32
        %dma_start3A_397 = tpu.memref_slice %arg11[%dma_start3A_395, %dma_start3A_396] : memref<10112x128xf32, #tpu.memory_space<vmem_shared>> -> memref<10112x128xf32, #tpu.memory_space<vmem_shared>>
        %dma_start3A_398 = tpu.memref_slice %arg13[%rem3A_377] : memref<8x!tpu.dma_semaphore, #tpu.memory_space<semaphore_mem>> -> memref<1x!tpu.dma_semaphore, #tpu.memory_space<semaphore_mem>>
        %dma_start3A_399 = tpu.memref_squeeze %dma_start3A_398 : memref<1x!tpu.dma_semaphore, #tpu.memory_space<semaphore_mem>> -> memref<!tpu.dma_semaphore, #tpu.memory_space<semaphore_mem>>
        tpu.enqueue_indirect_dma source(%dma_start3A_391 : memref<32x128xf32, #tpu.memory_space<vmem>>) target(%dma_start3A_397 : memref<10112x128xf32, #tpu.memory_space<vmem_shared>>) offsets(%dma_start3A_394 : memref<32xi32, #tpu.memory_space<vmem>>) semaphore(%dma_start3A_399 : memref<!tpu.dma_semaphore, #tpu.memory_space<semaphore_mem>>) {add = true}
        %add3A_400 = arith.constant 4 : i32
        %add3A_401 = arith.addi %while3A_374, %add3A_400 : i32
        %lt3A = arith.cmpi slt, %add3A_401, %max3A_321 : i32
        %convert_element_type3A_402 = arith.extui %lt3A : i1 to i32
        %cond3A_403 = arith.constant 0 : i32
        %cond3A_404 = arith.cmpi ne, %convert_element_type3A_402, %cond3A_403 : i32
        scf.if %cond3A_404 {
          %ge3A = arith.constant 4 : i32
          %ge3A_406 = arith.cmpi sge, %while3A_374, %ge3A : i32
          %convert_element_type3A_407 = arith.extui %ge3A_406 : i1 to i32
          %cond3A_408 = arith.constant 0 : i32
          %cond3A_409 = arith.cmpi ne, %convert_element_type3A_407, %cond3A_408 : i32
          scf.if %cond3A_409 {
            %sub3A_462 = arith.constant 4 : i32
            %sub3A_463 = arith.subi %while3A_374, %sub3A_462 : i32
            %rem3A_464 = arith.constant 8 : i32
            %rem3A_465 = arith.remsi %sub3A_463, %rem3A_464 : i32
            %dma_wait3A_466 = arith.constant 0 : i32
            %dma_wait3A_467 = arith.constant 0 : i32
            %dma_wait3A_468 = tpu.memref_slice %run_scoped3A_330[%rem3A_465, %dma_wait3A_466, %dma_wait3A_467] : memref<8x32x128xf32, #tpu.memory_space<vmem>> -> memref<1x32x128xf32, #tpu.memory_space<vmem>>
            %dma_wait3A_469 = tpu.memref_squeeze %dma_wait3A_468 : memref<1x32x128xf32, #tpu.memory_space<vmem>> -> memref<32x128xf32, #tpu.memory_space<vmem>>
            %dma_wait3A_470 = arith.constant 0 : i32
            %dma_wait3A_471 = tpu.memref_slice %arg9[%rem3A_465, %dma_wait3A_470] : memref<8x32xi32, #tpu.memory_space<vmem>> -> memref<1x32xi32, #tpu.memory_space<vmem>>
            %dma_wait3A_472 = tpu.memref_squeeze %dma_wait3A_471 : memref<1x32xi32, #tpu.memory_space<vmem>> -> memref<32xi32, #tpu.memory_space<vmem>>
            %dma_wait3A_473 = arith.constant 0 : i32
            %dma_wait3A_474 = arith.constant 0 : i32
            %dma_wait3A_475 = tpu.memref_slice %arg11[%dma_wait3A_473, %dma_wait3A_474] : memref<10112x128xf32, #tpu.memory_space<vmem_shared>> -> memref<10112x128xf32, #tpu.memory_space<vmem_shared>>
            %dma_wait3A_476 = tpu.memref_slice %arg13[%rem3A_465] : memref<8x!tpu.dma_semaphore, #tpu.memory_space<semaphore_mem>> -> memref<1x!tpu.dma_semaphore, #tpu.memory_space<semaphore_mem>>
            %dma_wait3A_477 = tpu.memref_squeeze %dma_wait3A_476 : memref<1x!tpu.dma_semaphore, #tpu.memory_space<semaphore_mem>> -> memref<!tpu.dma_semaphore, #tpu.memory_space<semaphore_mem>>
            tpu.wait_indirect_dma semaphore(%dma_wait3A_477 : memref<!tpu.dma_semaphore, #tpu.memory_space<semaphore_mem>>) src(%dma_wait3A_469 : memref<32x128xf32, #tpu.memory_space<vmem>>) dst(%dma_wait3A_475 : memref<10112x128xf32, #tpu.memory_space<vmem_shared>>)
          } else {
          }
          %add3A_410 = arith.constant 4 : i32
          %add3A_411 = arith.addi %while3A_374, %add3A_410 : i32
          %rem3A_412 = arith.constant 8 : i32
          %rem3A_413 = arith.remsi %add3A_411, %rem3A_412 : i32
          %add3A_414 = arith.constant 4 : i32
          %add3A_415 = arith.addi %while3A_374, %add3A_414 : i32
          %mul3A_416 = arith.constant 32 : i32
          %mul3A_417 = arith.muli %add3A_415, %mul3A_416 : i32
          %add3A_418 = arith.constant 0 : i32
          %add3A_419 = arith.addi %mul3A_417, %add3A_418 : i32
          %get3A = arith.index_cast %add3A_419 : i32 to index
          %get3A_420 = tpu.vector_load %arg7[%get3A] {strides = array<i32>} : memref<10240xi32, #tpu.memory_space<vmem>>, vector<16xi32>,
          %and3A_421 = arith.constant 16383 : i32
          %and3A_422 = vector.broadcast %and3A_421 : i32 to vector<16xi32>
          %and3A_423 = arith.andi %get3A_420, %and3A_422 : vector<16xi32>
          %swap3A_424 = arith.index_cast %rem3A_413 : i32 to index
          %swap3A_425 = arith.constant 0 : index
          %swap3A_426 = tpu.vector_load %arg8[%swap3A_424, %swap3A_425] {strides = array<i32>} : memref<8x32xi32, #tpu.memory_space<vmem>>, vector<16xi32>,
          tpu.vector_store %arg8[%swap3A_424, %swap3A_425], %and3A_423 {strides = array<i32>} : memref<8x32xi32, #tpu.memory_space<vmem>>, vector<16xi32>,
          %shift_right_logical3A = arith.constant 14 : i32
          %shift_right_logical3A_427 = vector.broadcast %shift_right_logical3A : i32 to vector<16xi32>
          %shift_right_logical3A_428 = arith.shrui %get3A_420, %shift_right_logical3A_427 : vector<16xi32>
          %swap3A_429 = arith.index_cast %rem3A_413 : i32 to index
          %swap3A_430 = arith.constant 0 : index
          %swap3A_431 = tpu.vector_load %arg9[%swap3A_429, %swap3A_430] {strides = array<i32>} : memref<8x32xi32, #tpu.memory_space<vmem>>, vector<16xi32>,
          tpu.vector_store %arg9[%swap3A_429, %swap3A_430], %shift_right_logical3A_428 {strides = array<i32>} : memref<8x32xi32, #tpu.memory_space<vmem>>, vector<16xi32>,
          %mul3A_432 = arith.constant 32 : i32
          %mul3A_433 = arith.muli %add3A_415, %mul3A_432 : i32
          %add3A_434 = arith.constant 16 : i32
          %add3A_435 = arith.addi %mul3A_433, %add3A_434 : i32
          %get3A_436 = arith.index_cast %add3A_435 : i32 to index
          %get3A_437 = tpu.vector_load %arg7[%get3A_436] {strides = array<i32>} : memref<10240xi32, #tpu.memory_space<vmem>>, vector<16xi32>,
          %and3A_438 = arith.constant 16383 : i32
          %and3A_439 = vector.broadcast %and3A_438 : i32 to vector<16xi32>
          %and3A_440 = arith.andi %get3A_437, %and3A_439 : vector<16xi32>
          %swap3A_441 = arith.index_cast %rem3A_413 : i32 to index
          %swap3A_442 = arith.constant 16 : index
          %swap3A_443 = tpu.vector_load %arg8[%swap3A_441, %swap3A_442] {strides = array<i32>} : memref<8x32xi32, #tpu.memory_space<vmem>>, vector<16xi32>,
          tpu.vector_store %arg8[%swap3A_441, %swap3A_442], %and3A_440 {strides = array<i32>} : memref<8x32xi32, #tpu.memory_space<vmem>>, vector<16xi32>,
          %shift_right_logical3A_444 = arith.constant 14 : i32
          %shift_right_logical3A_445 = vector.broadcast %shift_right_logical3A_444 : i32 to vector<16xi32>
          %shift_right_logical3A_446 = arith.shrui %get3A_437, %shift_right_logical3A_445 : vector<16xi32>
          %swap3A_447 = arith.index_cast %rem3A_413 : i32 to index
          %swap3A_448 = arith.constant 16 : index
          %swap3A_449 = tpu.vector_load %arg9[%swap3A_447, %swap3A_448] {strides = array<i32>} : memref<8x32xi32, #tpu.memory_space<vmem>>, vector<16xi32>,
          tpu.vector_store %arg9[%swap3A_447, %swap3A_448], %shift_right_logical3A_446 {strides = array<i32>} : memref<8x32xi32, #tpu.memory_space<vmem>>, vector<16xi32>,
          %dma_start3A_450 = arith.constant 0 : i32
          %dma_start3A_451 = arith.constant 0 : i32
          %dma_start3A_452 = tpu.memref_slice %run_scoped3A_330[%rem3A_413, %dma_start3A_450, %dma_start3A_451] : memref<8x32x128xf32, #tpu.memory_space<vmem>> -> memref<1x32x128xf32, #tpu.memory_space<vmem>>
          %dma_start3A_453 = tpu.memref_squeeze %dma_start3A_452 : memref<1x32x128xf32, #tpu.memory_space<vmem>> -> memref<32x128xf32, #tpu.memory_space<vmem>>
          %dma_start3A_454 = arith.constant 0 : i32
          %dma_start3A_455 = tpu.memref_slice %arg8[%rem3A_413, %dma_start3A_454] : memref<8x32xi32, #tpu.memory_space<vmem>> -> memref<1x32xi32, #tpu.memory_space<vmem>>
          %dma_start3A_456 = tpu.memref_squeeze %dma_start3A_455 : memref<1x32xi32, #tpu.memory_space<vmem>> -> memref<32xi32, #tpu.memory_space<vmem>>
          %dma_start3A_457 = arith.constant 0 : i32
          %dma_start3A_458 = arith.constant 0 : i32
          %dma_start3A_459 = tpu.memref_slice %arg4[%dma_start3A_457, %dma_start3A_458] : memref<10000x128xf32, #tpu.memory_space<hbm>> -> memref<10000x128xf32, #tpu.memory_space<hbm>>
          %dma_start3A_460 = tpu.memref_slice %arg12[%rem3A_413] : memref<8x!tpu.dma_semaphore, #tpu.memory_space<semaphore_mem>> -> memref<1x!tpu.dma_semaphore, #tpu.memory_space<semaphore_mem>>
          %dma_start3A_461 = tpu.memref_squeeze %dma_start3A_460 : memref<1x!tpu.dma_semaphore, #tpu.memory_space<semaphore_mem>> -> memref<!tpu.dma_semaphore, #tpu.memory_space<semaphore_mem>>
          tpu.enqueue_indirect_dma source(%dma_start3A_459 : memref<10000x128xf32, #tpu.memory_space<hbm>>) target(%dma_start3A_453 : memref<32x128xf32, #tpu.memory_space<vmem>>) offsets(%dma_start3A_456 : memref<32xi32, #tpu.memory_space<vmem>>) semaphore(%dma_start3A_461 : memref<!tpu.dma_semaphore, #tpu.memory_space<semaphore_mem>>)
        } else {
        }
        %while3A_405 = arith.constant 0 : i32
        scf.yield %while3A_405 : i32
      }
      %sub3A_359 = arith.constant 8 : i32
      %sub3A_360 = arith.subi %max3A_321, %sub3A_359 : i32
      %max3A_361 = arith.constant 0 : i32
      %max3A_362 = arith.maxsi %sub3A_360, %max3A_361 : i32
      %while3A_363 = arith.constant 0 : i32
      %while3A_364 = arith.subi %max3A_321, %max3A_362 : i32
      %while3A_365 = arith.addi %max3A_362, %while3A_364 : i32
      %while3A_366 = arith.constant 1 : i32
      %while3A_367 = arith.divsi %while3A_364, %while3A_366 : i32
      %while3A_368 = arith.muli %while3A_367, %while3A_366 : i32
      %while3A_369 = arith.addi %max3A_362, %while3A_368 : i32
      %while3A_370 = arith.constant 1 : i32
      %while3A_371 = scf.for %while3A_374 = %max3A_362 to %while3A_369 step %while3A_370 iter_args(%while3A_375 = %while3A_363) -> (i32)  : i32 {
        %rem3A_376 = arith.constant 8 : i32
        %rem3A_377 = arith.remsi %while3A_374, %rem3A_376 : i32
        %dma_wait3A = arith.constant 0 : i32
        %dma_wait3A_378 = arith.constant 0 : i32
        %dma_wait3A_379 = tpu.memref_slice %run_scoped3A_330[%rem3A_377, %dma_wait3A, %dma_wait3A_378] : memref<8x32x128xf32, #tpu.memory_space<vmem>> -> memref<1x32x128xf32, #tpu.memory_space<vmem>>
        %dma_wait3A_380 = tpu.memref_squeeze %dma_wait3A_379 : memref<1x32x128xf32, #tpu.memory_space<vmem>> -> memref<32x128xf32, #tpu.memory_space<vmem>>
        %dma_wait3A_381 = arith.constant 0 : i32
        %dma_wait3A_382 = tpu.memref_slice %arg9[%rem3A_377, %dma_wait3A_381] : memref<8x32xi32, #tpu.memory_space<vmem>> -> memref<1x32xi32, #tpu.memory_space<vmem>>
        %dma_wait3A_383 = tpu.memref_squeeze %dma_wait3A_382 : memref<1x32xi32, #tpu.memory_space<vmem>> -> memref<32xi32, #tpu.memory_space<vmem>>
        %dma_wait3A_384 = arith.constant 0 : i32
        %dma_wait3A_385 = arith.constant 0 : i32
        %dma_wait3A_386 = tpu.memref_slice %arg11[%dma_wait3A_384, %dma_wait3A_385] : memref<10112x128xf32, #tpu.memory_space<vmem_shared>> -> memref<10112x128xf32, #tpu.memory_space<vmem_shared>>
        %dma_wait3A_387 = tpu.memref_slice %arg13[%rem3A_377] : memref<8x!tpu.dma_semaphore, #tpu.memory_space<semaphore_mem>> -> memref<1x!tpu.dma_semaphore, #tpu.memory_space<semaphore_mem>>
        %dma_wait3A_388 = tpu.memref_squeeze %dma_wait3A_387 : memref<1x!tpu.dma_semaphore, #tpu.memory_space<semaphore_mem>> -> memref<!tpu.dma_semaphore, #tpu.memory_space<semaphore_mem>>
        tpu.wait_indirect_dma semaphore(%dma_wait3A_388 : memref<!tpu.dma_semaphore, #tpu.memory_space<semaphore_mem>>) src(%dma_wait3A_380 : memref<32x128xf32, #tpu.memory_space<vmem>>) dst(%dma_wait3A_386 : memref<10112x128xf32, #tpu.memory_space<vmem_shared>>)
        %while3A_389 = arith.constant 0 : i32
        scf.yield %while3A_389 : i32
      }
      %while3A_372 = arith.constant 1 : i32
      %while3A_373 = scf.for %while3A_374 = %while3A_369 to %while3A_365 step %while3A_372 iter_args(%while3A_375 = %while3A_371) -> (i32)  : i32 {
        %rem3A_376 = arith.constant 8 : i32
        %rem3A_377 = arith.remsi %while3A_374, %rem3A_376 : i32
        %dma_wait3A = arith.constant 0 : i32
        %dma_wait3A_378 = arith.constant 0 : i32
        %dma_wait3A_379 = tpu.memref_slice %run_scoped3A_330[%rem3A_377, %dma_wait3A, %dma_wait3A_378] : memref<8x32x128xf32, #tpu.memory_space<vmem>> -> memref<1x32x128xf32, #tpu.memory_space<vmem>>
        %dma_wait3A_380 = tpu.memref_squeeze %dma_wait3A_379 : memref<1x32x128xf32, #tpu.memory_space<vmem>> -> memref<32x128xf32, #tpu.memory_space<vmem>>
        %dma_wait3A_381 = arith.constant 0 : i32
        %dma_wait3A_382 = tpu.memref_slice %arg9[%rem3A_377, %dma_wait3A_381] : memref<8x32xi32, #tpu.memory_space<vmem>> -> memref<1x32xi32, #tpu.memory_space<vmem>>
        %dma_wait3A_383 = tpu.memref_squeeze %dma_wait3A_382 : memref<1x32xi32, #tpu.memory_space<vmem>> -> memref<32xi32, #tpu.memory_space<vmem>>
        %dma_wait3A_384 = arith.constant 0 : i32
        %dma_wait3A_385 = arith.constant 0 : i32
        %dma_wait3A_386 = tpu.memref_slice %arg11[%dma_wait3A_384, %dma_wait3A_385] : memref<10112x128xf32, #tpu.memory_space<vmem_shared>> -> memref<10112x128xf32, #tpu.memory_space<vmem_shared>>
        %dma_wait3A_387 = tpu.memref_slice %arg13[%rem3A_377] : memref<8x!tpu.dma_semaphore, #tpu.memory_space<semaphore_mem>> -> memref<1x!tpu.dma_semaphore, #tpu.memory_space<semaphore_mem>>
        %dma_wait3A_388 = tpu.memref_squeeze %dma_wait3A_387 : memref<1x!tpu.dma_semaphore, #tpu.memory_space<semaphore_mem>> -> memref<!tpu.dma_semaphore, #tpu.memory_space<semaphore_mem>>
        tpu.wait_indirect_dma semaphore(%dma_wait3A_388 : memref<!tpu.dma_semaphore, #tpu.memory_space<semaphore_mem>>) src(%dma_wait3A_380 : memref<32x128xf32, #tpu.memory_space<vmem>>) dst(%dma_wait3A_386 : memref<10112x128xf32, #tpu.memory_space<vmem_shared>>)
        %while3A_389 = arith.constant 0 : i32
        scf.yield %while3A_389 : i32
      }
      tpu.yield
    }) : () -> ()
    %barrier3A_329 = arith.constant 0 : index
    tpu.barrier barrier_id(%barrier3A_329)
    "tpu.region"() ({
      %run_scoped3A_330 = tpu.sem_alloc : memref<!tpu.dma_semaphore, #tpu.memory_space<semaphore_mem>>
      %dma_start3A = arith.constant 0 : i32
      %dma_start3A_331 = tpu.memref_slice %arg5[%arg0, %mul3A_260, %dma_start3A] : memref<2x10112x128xf32, #tpu.memory_space<hbm>> -> memref<1x632x128xf32, #tpu.memory_space<hbm>>
      %dma_start3A_332 = tpu.memref_squeeze %dma_start3A_331 : memref<1x632x128xf32, #tpu.memory_space<hbm>> -> memref<632x128xf32, #tpu.memory_space<hbm>>
      %dma_start3A_333 = arith.constant 0 : i32
      %dma_start3A_334 = tpu.memref_slice %arg11[%mul3A_260, %dma_start3A_333] : memref<10112x128xf32, #tpu.memory_space<vmem_shared>> -> memref<632x128xf32, #tpu.memory_space<vmem_shared>>
      tpu.enqueue_dma source(%dma_start3A_334 : memref<632x128xf32, #tpu.memory_space<vmem_shared>>) target(%dma_start3A_332 : memref<632x128xf32, #tpu.memory_space<hbm>>) target_semaphore(%run_scoped3A_330 : memref<!tpu.dma_semaphore, #tpu.memory_space<semaphore_mem>>)
      %dma_wait3A = arith.constant 0 : i32
      %dma_wait3A_335 = tpu.memref_slice %arg5[%arg0, %mul3A_260, %dma_wait3A] : memref<2x10112x128xf32, #tpu.memory_space<hbm>> -> memref<1x632x128xf32, #tpu.memory_space<hbm>>
      %dma_wait3A_336 = tpu.memref_squeeze %dma_wait3A_335 : memref<1x632x128xf32, #tpu.memory_space<hbm>> -> memref<632x128xf32, #tpu.memory_space<hbm>>
      %dma_wait3A_337 = arith.constant 0 : i32
      %dma_wait3A_338 = tpu.memref_slice %arg11[%mul3A_260, %dma_wait3A_337] : memref<10112x128xf32, #tpu.memory_space<vmem_shared>> -> memref<632x128xf32, #tpu.memory_space<vmem_shared>>
      tpu.wait_dma2 semaphore(%run_scoped3A_330 : memref<!tpu.dma_semaphore, #tpu.memory_space<semaphore_mem>>) src(%dma_wait3A_338 : memref<632x128xf32, #tpu.memory_space<vmem_shared>>) dst(%dma_wait3A_336 : memref<632x128xf32, #tpu.memory_space<hbm>>)
      tpu.yield
    }) : () -> ()
    return
  }
}

module attributes {stable_mosaic.version = 14 : i64} {
  func.func @body(%arg0: i32, %arg1: memref<2x2000x128xf32, #tpu.memory_space<vmem>>, %arg2: memref<2000x128xf32, #tpu.memory_space<vmem>>) attributes {dimension_semantics = [#tpu.dimension_semantics<arbitrary>], iteration_bounds = array<i64: 5>, scalar_prefetch = 0 : i64, scratch_operands = 0 : i64, tpu.core_type = #tpu.core_type<tc>, window_params = [{transform_indices = @transform_0, window_bounds = array<i64: 2, 2000, 128>}, {transform_indices = @transform_1, window_bounds = array<i64: 2000, 128>}]} {
    %get3A = arith.constant 0 : index
    %get3A_0 = arith.constant 0 : index
    %get3A_1 = arith.constant 0 : index
    %get3A_2 = vector.load %arg1[%get3A, %get3A_0, %get3A_1] : memref<2x2000x128xf32, #tpu.memory_space<vmem>>, vector<1x2000x128xf32>
    %get3A_3 = vector.shape_cast %get3A_2 : vector<1x2000x128xf32> to vector<2000x128xf32>
    %get3A_4 = arith.constant 1 : index
    %get3A_5 = arith.constant 0 : index
    %get3A_6 = arith.constant 0 : index
    %get3A_7 = vector.load %arg1[%get3A_4, %get3A_5, %get3A_6] : memref<2x2000x128xf32, #tpu.memory_space<vmem>>, vector<1x2000x128xf32>
    %get3A_8 = vector.shape_cast %get3A_7 : vector<1x2000x128xf32> to vector<2000x128xf32>
    %add3A = arith.addf %get3A_3, %get3A_8 : vector<2000x128xf32>
    %swap3A = arith.constant 0 : index
    %swap3A_9 = arith.constant 0 : index
    %swap3A_10 = vector.load %arg2[%swap3A, %swap3A_9] : memref<2000x128xf32, #tpu.memory_space<vmem>>, vector<2000x128xf32>
    tpu.vector_store %arg2[%swap3A, %swap3A_9], %add3A {strides = array<i32>} : memref<2000x128xf32, #tpu.memory_space<vmem>>, vector<2000x128xf32>,
    return
  }
  func.func @transform_0(%arg0: i32) -> (i32, i32, i32) {
    %c0_i32 = arith.constant 0 : i32
    %c0_i32_0 = arith.constant 0 : i32
    %c0_i32_1 = arith.constant 0 : i32
    return %c0_i32, %arg0, %c0_i32_0 : i32, i32, i32
  }
  func.func @transform_1(%arg0: i32) -> (i32, i32) {
    %c0_i32 = arith.constant 0 : i32
    %c0_i32_0 = arith.constant 0 : i32
    return %arg0, %c0_i32 : i32, i32
  }
}

</mosaic_0001>

<sc_bundles>
// kernel: kernel.4.cloned.1.call-start
scs
__scs_entry_jumppad:
0x0: {  	(pc) =	sbr.rel $0x88, $3  }
0x1: {  	(tag) =	ssettag $0x0;
	lr =	simm.s32 $0x1  }
0x2: {  	[smem:$0x3F9E] =	sst lr;
	_ =	strace $0xD0000000  }
0x3: {  	_ = 	snop  }
0x4: {  	_ = 	snop  }
0x5: {  	_ = 	snop  }
0x6: {  	_ = 	snop  }
0x7: {  	_ = 	snop  }
__scs_overlays_trampoline_lowered:
0x8: {  	[smem:$0x3FAD] =	sst s0  }
0x9: {  	[smem:$0x3FAE] =	sst s1  }
0xa: {  	[smem:$0x3FAF] =	sst s2  }
0xb: {  	[smem:$0x3FB0] =	sst s3  }
0xc: {  	[smem:$0x3FB1] =	sst s4  }
0xd: {  	[smem:$0x3FB2] =	sst s5  }
0xe: {  	[smem:$0x3FB3] =	sst s6  }
0xf: {  	[smem:$0x3FB4] =	sst s7  }
0x10: {  	[smem:$0x3FB5] =	sst s8  }
0x11: {  	[smem:$0x3FB6] =	sst s9;
	s0 =	simm.s32 @!p0 $0x0  }
0x12: {  	s1 =	sld [smem:$0x3F9C];
	s0 =	simm.s32 @p0 $0x1  }
0x13: {  	[smem:$0x3FB7] =	sst s0;
	s0 =	simm.s32 @!p1 $0x0  }
0x14: {  	s2 =	sld [smem:$0x3F9B];
	s0 =	simm.s32 @p1 $0x1  }
0x15: {  	[smem:$0x3FB8] =	sst s0;
	s0 =	simm.s32 @!p2 $0x0  }
0x16: {  	s3 =	sld [smem:$0x3FDB];
	s0 =	simm.s32 @p2 $0x1  }
0x17: {  	s4 =	simm.s32 $0x1BF5;
	[smem:$0x3FBA] =	sst s0  }
0x18: {  	s0 =	sld [smem:$0x3F9D];
	_ =	swait.ge [sflag:s4], $0x0  }
0x19: {  	s7 =	sld [smem:$0x3F9E]  }
0x1a: {  	s8 =	sadd.s32 $0xFFFFE003, lr  }
0x1b: {  	s9 =	sadd.s32 $0xFFFFFEF7, lr;
	s5 =	simm.s32 $0xFFFFFFFF;
	p2 =	slt.u32 s8, $0xFFFFF086  }
0x1c: {  	p1 =	slt.u32 s9, $0xF7A;
	s5 =	simm.s32 @!p2 $0x0  }
0x1d: {  	s5 =	simm.s32 @p1 $0x1;
	p0 =	seq.s32 s7, s2  }
0x1e: {  	s7 =	smul.u32 @!p0 $0xF7A, s2;
	p2 =	seq.s32 @!p0 s5, $0x0  }
0x1f: {  	s9 =	smul.u32 $0xF7A, s1;
	s8 =	simm.s32 @!p0 $0x1BF5;
	p2 =	por !p2, p0  }
0x20: {  	[sflag:s8] =	ssyncset.s32 @!p0 $0xFFFFF086;
	s6 =	sadd.s32 @!p0 s3, s7;
	s7 =	simm.s32 @!p0 $0x108  }
0x21: {  	s3 =	sadd.s32 s3, s9;
	s6 =	sadd.s32 @!p0 $0x88, s6;
	s7 =	simm.s32 @p2 $0x1082  }
0x22: {  	[simem:s7], [sflag:s8] =	dma.local @!p0 [hbm:s6], $0xF7A  }
0x23: {  	s9 =	sor.u32 $0xD0000000, s2;
	s6 =	simm.s32 $0x108;
	_ =	swait.ge @!p0 [sflag:s8], $0x0  }
0x24: {  	s3 =	sadd.s32 $0x88, s3;
	s6 =	simm.s32 @!p1 $0x1082;
	[sflag:s4] =	ssyncset.s32 $0xFFFFF086  }
0x25: {  	[simem:s6], [sflag:s4] =	dma.local [hbm:s3], $0xF7A  }
0x26: {  	[smem:$0x3F9E] =	sst s1;
	(tag) =	ssettag s2;
	_ =	strace s9  }
0x27: {  	s1 =	sld [smem:$0x3FAE]  }
0x28: {  	s2 =	sld [smem:$0x3FAF]  }
0x29: {  	s4 =	sld [smem:$0x3FB1]  }
0x2a: {  	p0 =	seq.s32 s5, $0x0;
	s5 =	sld [smem:$0x3FB2]  }
0x2b: {  	s6 =	sld [smem:$0x3FB3]  }
0x2c: {  	s7 =	sld [smem:$0x3FB4]  }
0x2d: {  	s3 =	simm.s32 $0x108;
	s8 =	sld [smem:$0x3FB5]  }
0x2e: {  	s3 =	simm.s32 @!p0 $0x1082;
	s9 =	sld [smem:$0x3FB6]  }
0x2f: {  	lr =	sadd.s32 s0, s3;
	s0 =	sld [smem:$0x3FAD]  }
0x30: {  	s3 =	sld [smem:$0x3FB0]  }
0x31: {  	[smem:$0x3FB9] =	sst s10  }
0x32: {  	s10 =	sld [smem:$0x3FB7];
	_ =	sdelay $0x3  }
0x33: {  	p0 =	seq.s32 s10, $0x1;
	s10 =	sld [smem:$0x3FB9];
	_ =	sdelay $0x3  }
0x34: {  	[smem:$0x3FB9] =	sst s10  }
0x35: {  	s10 =	sld [smem:$0x3FB8];
	_ =	sdelay $0x3  }
0x36: {  	p1 =	seq.s32 s10, $0x1;
	s10 =	sld [smem:$0x3FB9];
	_ =	sdelay $0x3  }
0x37: {  	[smem:$0x3FB9] =	sst s10  }
0x38: {  	s10 =	sld [smem:$0x3FBA]  }
0x39: {  	_ = 	snop;
	(pc) =	sbr.ind lr, $3  }
0x3a: {  	_ = 	snop  }
0x3b: {  	_ = 	snop  }
0x3c: {  	p2 =	seq.s32 s10, $0x1;
	s10 =	sld [smem:$0x3FB9]  }
0x3d: {  	_ =	shalt  }
0x3e: {  	_ =	shalt  }
0x3f: {  	_ =	shalt  }
0x40: {  	_ =	shalt  }
0x41: {  	_ =	shalt  }
0x42: {  	_ =	shalt  }
0x43: {  	_ =	shalt  }
0x44: {  	_ =	shalt  }
0x45: {  	_ =	shalt  }
0x46: {  	_ =	shalt  }
0x47: {  	_ =	shalt  }
0x48: {  	_ =	shalt  }
0x49: {  	_ =	shalt  }
0x4a: {  	_ =	shalt  }
0x4b: {  	_ =	shalt  }
0x4c: {  	_ =	shalt  }
0x4d: {  	_ =	shalt  }
0x4e: {  	_ =	shalt  }
0x4f: {  	_ =	shalt  }
0x50: {  	_ =	shalt  }
0x51: {  	_ =	shalt  }
0x52: {  	_ =	shalt  }
0x53: {  	_ =	shalt  }
0x54: {  	_ =	shalt  }
0x55: {  	_ =	shalt  }
0x56: {  	_ =	shalt  }
0x57: {  	_ =	shalt  }
0x58: {  	_ =	shalt  }
0x59: {  	_ =	shalt  }
0x5a: {  	_ =	shalt  }
0x5b: {  	_ =	shalt  }
0x5c: {  	_ =	shalt  }
0x5d: {  	_ =	shalt  }
0x5e: {  	_ =	shalt  }
0x5f: {  	_ =	shalt  }
0x60: {  	_ =	shalt  }
0x61: {  	_ =	shalt  }
0x62: {  	_ =	shalt  }
0x63: {  	_ =	shalt  }
0x64: {  	_ =	shalt  }
0x65: {  	_ =	shalt  }
0x66: {  	_ =	shalt  }
0x67: {  	_ =	shalt  }
0x68: {  	_ =	shalt  }
0x69: {  	_ =	shalt  }
0x6a: {  	_ =	shalt  }
0x6b: {  	_ =	shalt  }
0x6c: {  	_ =	shalt  }
0x6d: {  	_ =	shalt  }
0x6e: {  	_ =	shalt  }
0x6f: {  	_ =	shalt  }
0x70: {  	_ =	shalt  }
0x71: {  	_ =	shalt  }
0x72: {  	_ =	shalt  }
0x73: {  	_ =	shalt  }
0x74: {  	_ =	shalt  }
0x75: {  	_ =	shalt  }
0x76: {  	_ =	shalt  }
0x77: {  	_ =	shalt  }
0x78: {  	_ =	shalt  }
0x79: {  	_ =	shalt  }
0x7a: {  	_ =	shalt  }
0x7b: {  	_ =	shalt  }
0x7c: {  	_ =	shalt  }
0x7d: {  	_ =	shalt  }
0x7e: {  	_ =	shalt  }
0x7f: {  	_ =	shalt  }
0x80: {  	_ =	shalt  }
0x81: {  	_ =	shalt  }
0x82: {  	_ =	shalt  }
0x83: {  	_ =	shalt  }
0x84: {  	_ =	shalt  }
0x85: {  	_ =	shalt  }
0x86: {  	_ =	shalt  }
0x87: {  	_ =	shalt  }
.Lfunc_end0:
.L_simem_size_0:
called_computation_lowered:
.L_overlay_start_0:
0x88: {  	s2 =	sld [smem:$0x3FD9]  }
0x89: {  	s3 =	sld [smem:$0x3FFE];
	_ =	sdelay $0x1  }
0x8a: {  	s1 =	srdreg.scid  }
0x8b: {  	s0 =	sand.u32 $0x1, s1  }
0x8c: {  	s17 =	sshll.u32 s0, $0xA;
	s2 =	sadd.s32 s3, s2  }
0x8d: {  	s2 =	sadd.s32 s2, s17  }
0x8e: {  	[smem:$0x3FC5] =	sst s2  }
0x8f: {  	_ = 	snop  }
0x90: {  	s2 =	sld [smem:$0x3FC9]  }
0x91: {  	s18 =	sld [smem:$0x3FD0];
	(tm) =	ssettm $0x1  }
0x92: {  	s4 =	sld [smem:$0x3FFB];
	_ =	sdelay $0x3  }
0x93: {  	_ =	strace s4  }
0x94: {  	s4 =	sld [smem:$0x3FFC];
	_ =	sdelay $0x3  }
0x95: {  	_ =	strace s4  }
0x96: {  	s4 =	sld [smem:$0x3FFD];
	_ =	sdelay $0x3  }
0x97: {  	_ =	strace s4  }
0x98: {  	_ =	strace $0x8FFFFFFF  }
0x99: {  	s19 =	sld [smem:$0x3FDB];
	_ =	sdelay $0x1  }
0x9a: {  	s5 =	simm.s32 $_scs_section_size  }
0x9b: {  	s6 =	simm.s32 $_size__tile_overlayer_lowered;
	s7 =	simm.s32 $_tile_overlayer_lowered  }
0x9c: {  	s22 =	simm.s32 $0x1BFF;
	s21 =	sshll.u32 s7, $0x1;
	s4 =	sadd.s32 s5, s19  }
0x9d: {  	s8 =	simm.s32 $0x0;
	s20 =	sshll.u32 s6, $0x1;
	s6 =	sadd.s32 s21, s4  }
0x9e: {  	[timem:s8], [sflag:s22] =	dma.local [hbm:s6], s20  }
0x9f: {  	_ =	swait.ge [sflag:s22], s20  }
0xa0: {  	s5 =	ssub.s32 $0x0, s20;
	[sflag:s22] =	ssyncset.done $0x0  }
0xa1: {  	[sflag:s22] =	ssyncadd.s32 s5;
	_ =	sdelay $0x1  }
0xa2: {  	s23 =	simm.s32 $0x1B8B  }
0xa3: {  	_ =	swait.ge [sflag:s23], $0x1  }
0xa4: {  	[sflag:s23] =	ssyncset.done $0x0  }
0xa5: {  	s25 =	simm.s32 $0x1B8E;
	s24 =	sld [smem:$0x3FFE];
	[sflag:s23] =	ssyncadd.s32 $0xFFFFFFFF  }
0xa6: {  	s26 =	simm.s32 $execute0_lowered;
	[smem:$0x3FD2] =	sst s25  }
0xa7: {  	s6 =	sshll.u32 s26, $0x1;
	_ =	strace $0x80000046;
	[dreg:$0x1] =	wrdreg $0xFFFFFFFF  }
0xa8: {  	s28 =	simm.s32 $_size_execute0_lowered;
	s4 =	sadd.s32 s4, s6;
	[dreg:$0x0] =	wrdreg $0x0  }
0xa9: {  	s6 =	sshll.u32 s28, $0x1;
	[dreg:$0x2] =	wrdreg s4  }
0xaa: {  	[dreg:$0x3] =	wrdreg s6  }
0xab: {  	[dreg:$0x4] =	wrdreg $0xC0  }
0xac: {  	_ =	task [dreg:s8], $0x5FFFF  }
0xad: {  	[dreg:$0x1] =	wrdreg $0xFFFFFFFF  }
0xae: {  	[dreg:$0x0] =	wrdreg $0x60  }
0xaf: {  	[dreg:$0x2] =	wrdreg s24  }
0xb0: {  	[dreg:$0x3] =	wrdreg s18  }
0xb1: {  	[dreg:$0x4] =	wrdreg s2  }
0xb2: {  	[dreg:$0x5] =	wrdreg $0x35800  }
0xb3: {  	[dreg:$0x6] =	wrdreg $0x9  }
0xb4: {  	_ =	task.clear_ibuf [dreg:s8], $0x7FFFF;
	_ =	strace $0x90000046  }
0xb5: {  	s29 =	simm.s32 $0x9;
	_ =	strace $0x80000048  }
0xb6: {  	_ =	swait.ge [sflag:s29], $0x1  }
0xb7: {  	[sflag:s29] =	ssyncadd.s32 $0xFFFFFFFF  }
0xb8: {  	_ =	strace $0x90000048  }
0xb9: {  	_ =	sfence  }
0xba: {  	s30 =	sld [smem:$0x0];
	_ =	sdelay $0x2  }
0xbb: {  	s31 =	sshll.u32 s1, $0xD;
	s1 =	sshrl.u32 s1, $0x2  }
0xbc: {  	s3 =	sand.u32 $0x4000, s31;
	s1 =	sadd.s32 s1, s30  }
0xbd: {  	s0 =	sor.u32 s3, s0;
	s1 =	sshll.u32 s1, $0x11  }
0xbe: {  	s0 =	sor.u32 s1, s0  }
0xbf: {  	s0 =	sadd.s32 $0x8F2B, s0  }
0xc0: {  	[sflag:s0] =	ssyncadd.remote.s32 $0x1  }
0xc1: {  	_ =	sfence.sel $0xFFFF  }
0xc2: {  	[dreg:$0x0] =	wrdreg $0xFFFFFFFF;
	(pc) =	sbr.abs _section_cstart, $3  }
0xc3: {  	[dreg:$0x1] =	wrdreg $0xFFFFFFFF  }
0xc4: {  	_ =	task.clear_ibuf [dreg:s8], $0x2FFFF;
	_ =	strace $0x9FFFFFFF  }
0xc5: {  	(tm) =	ssettm $0x7FFFFFFF  }
tec
execute0_lowered:
.L_overlay_start_1:
0x0: {  	(tag) =	ssettag $0x1  }
0x1: {  	s0 =	rddreg [dreg:$0x0]  }
0x2: {  	s8 =	rddreg [dreg:$0x1]  }
0x3: {  	s1 =	srdreg.scid;
	s3 =	rddreg [dreg:$0x2]  }
0x4: {  	s24 =	stileid.u32;
	s4 =	rddreg [dreg:$0x3]  }
0x5: {  	s5 =	simm.s32 $0x0;
	s14 =	simm.s32 $0x400;
	s16 =	simm.s32 $0x17180  }
0x6: {  	s17 =	simm.s32 $0x1;
	s20 =	simm.s32 $0x0;
	s9 =	smul.u32 $0x13C00, s24  }
0x7: {  	s6 =	sand.u32 $0x1, s1;
	[smem:$0x7FF] =	sst s5;
	s25 =	smul.u32 $0x4F000, s24  }
0x8: {  	s10 =	sshrl.u32 s24, $0x2;
	s11 =	sshll.u32 s24, $0x8;
	s7 =	smul.u32 $0x13C000, s6  }
0x9: {  	s31 =	sshll.u32 s24, $0xE;
	_ =	strace $0x80000047;
	s10 =	smul.u32 $0x13C00, s10  }
0xa: {  	s12 =	sshll.u32 s6, $0x7;
	s11 =	sand.u32 $0x300, s11;
	s6 =	ssub.s32 $0x2, s6  }
0xb: {  	s18 =	sor.u32 $0x9C40000, s31;
	s26 =	sor.u32 s12, s11;
	s28 =	sshrl.u32 s6, $0x1  }
0xc: {  	s11 =	simm.s32 $0x11;
	s12 =	simm.s32 $0x3180;
	s7 =	sadd.s32 s9, s7  }
.Ltmp0:
0xd: {  	v0 =	vmov s18;
	s18 =	simm.s32 $0x20;
	s7 =	sshrl.u32 s7, $0x3;
	(pc) =	sbr.rel .LBB2_1-.Ltmp0, $4  }
0xe: {  	s9 =	sshrl.u32 s25, $0x2;
	s13 =	sadd.s32 s7, s0;
	s7 =	sor.u32 s10, s26  }
0xf: {  	s29 =	ssub.s32 s6, s28;
	s6 =	sadd.s32 s9, s4;
	s30 =	sadd.s32 $0x4F000, s7  }
0x10: {  	s10 =	smax.u32 s29, $0x1;
	s7 =	sshrl.u32 s7, $0x3;
	s9 =	sshrl.u32 s30, $0x3  }
0x11: {  	v1 =	vimm.f32 $0.0e+00;
	s7 =	sadd.s32 s8, s7;
	s8 =	sadd.s32 s8, s9;
	s9 =	sadd.s32 $0x200, s13  }
.LBB2_12:
0x12: {  	[sflag:s23] =	ssyncadd.s32 $0xFFFFF000  }
.LBB2_13:
0x13: {  	s0 =	stileid.u32;
	s20 =	sadd.s32 $0x1, s20  }
0x14: {  	[bflag:$0x0] =	sbarrier.arrive $0xFFFF;
	s0 =	sshll.u32 s0, $0x6;
	p0 =	sne.s32 s20, s10  }
.Ltmp1:
0x15: {  	s1 =	sshrl.u32 s6, $0x3;
	s0 =	sor.u32 $0x1C11, s0;
	(pc) =	sbr.rel @!p0 .LBB2_14-.Ltmp1, $4  }
0x16: {  	[hbm:s9], [sflag:s0] =	dma.local [spmem:s1], $0x2780  }
0x17: {  	_ =	swait.ge [sflag:s11], $0x2780  }
0x18: {  	[sflag:s11] =	ssyncset.done $0x0  }
0x19: {  	[sflag:s11] =	ssyncadd.s32 $0xFFFFD880  }
.LBB2_1:
0x1a: {  	s0 =	rddreg [dreg:$0x0]  }
0x1b: {  	[tilespmem:s5], [sflag:$0x11] =	stream.linear.gather [hbm4b:s0+s5], $0x180, $0x38;
	[tilespmem:$0x1F180] =	vst v63  }
0x1c: {  	_ =	swait.ge [sflag:s11], $0x180  }
0x1d: {  	[sflag:s11] =	ssyncset.done $0x0  }
0x1e: {  	[sflag:s11] =	ssyncadd.s32 $0xFFFFFE80  }
0x1f: {  	[tilespmem:$0x3180] =	vst v1  }
0x20: {  	[tilespmem:$0x3190] =	vst v1  }
0x21: {  	[tilespmem:$0x31A0] =	vst v1  }
0x22: {  	[tilespmem:$0x31B0] =	vst v1  }
0x23: {  	[tilespmem:$0x31C0] =	vst v1  }
0x24: {  	[tilespmem:$0x31D0] =	vst v1  }
0x25: {  	[tilespmem:$0x31E0] =	vst v1  }
0x26: {  	[tilespmem:$0x31F0] =	vst v1  }
0x27: {  	[tilespmem:$0x3200] =	vst v1  }
0x28: {  	[tilespmem:$0x3210] =	vst v1  }
0x29: {  	[tilespmem:$0x3220] =	vst v1  }
0x2a: {  	[tilespmem:$0x3230] =	vst v1  }
0x2b: {  	[tilespmem:$0x3240] =	vst v1  }
0x2c: {  	[tilespmem:$0x3250] =	vst v1  }
0x2d: {  	[tilespmem:$0x3260] =	vst v1  }
0x2e: {  	[tilespmem:$0x3270] =	vst v1  }
0x2f: {  	[tilespmem:$0x3280] =	vst v1  }
0x30: {  	[tilespmem:$0x3290] =	vst v1  }
0x31: {  	[tilespmem:$0x32A0] =	vst v1  }
0x32: {  	[tilespmem:$0x32B0] =	vst v1  }
0x33: {  	[tilespmem:$0x32C0] =	vst v1  }
0x34: {  	[tilespmem:$0x32D0] =	vst v1  }
0x35: {  	[tilespmem:$0x32E0] =	vst v1  }
0x36: {  	[tilespmem:$0x32F0] =	vst v1  }
0x37: {  	[tilespmem:$0x3300] =	vst v1  }
0x38: {  	[tilespmem:$0x3310] =	vst v1  }
0x39: {  	[tilespmem:$0x3320] =	vst v1  }
0x3a: {  	[tilespmem:$0x3330] =	vst v1  }
0x3b: {  	[tilespmem:$0x3340] =	vst v1  }
0x3c: {  	[tilespmem:$0x3350] =	vst v1  }
0x3d: {  	[tilespmem:$0x3360] =	vst v1  }
0x3e: {  	[tilespmem:$0x3370] =	vst v1  }
0x3f: {  	[tilespmem:$0x3380] =	vst v1  }
0x40: {  	[tilespmem:$0x3390] =	vst v1  }
0x41: {  	[tilespmem:$0x33A0] =	vst v1  }
0x42: {  	[tilespmem:$0x33B0] =	vst v1  }
0x43: {  	[tilespmem:$0x33C0] =	vst v1  }
0x44: {  	[tilespmem:$0x33D0] =	vst v1  }
0x45: {  	[tilespmem:$0x33E0] =	vst v1  }
0x46: {  	[tilespmem:$0x33F0] =	vst v1  }
0x47: {  	[tilespmem:$0x3400] =	vst v1  }
0x48: {  	[tilespmem:$0x3410] =	vst v1  }
0x49: {  	[tilespmem:$0x3420] =	vst v1  }
0x4a: {  	[tilespmem:$0x3430] =	vst v1  }
0x4b: {  	[tilespmem:$0x3440] =	vst v1  }
0x4c: {  	[tilespmem:$0x3450] =	vst v1  }
0x4d: {  	[tilespmem:$0x3460] =	vst v1  }
0x4e: {  	[tilespmem:$0x3470] =	vst v1  }
0x4f: {  	[tilespmem:$0x3480] =	vst v1  }
0x50: {  	[tilespmem:$0x3490] =	vst v1  }
0x51: {  	[tilespmem:$0x34A0] =	vst v1  }
0x52: {  	[tilespmem:$0x34B0] =	vst v1  }
0x53: {  	[tilespmem:$0x34C0] =	vst v1  }
0x54: {  	[tilespmem:$0x34D0] =	vst v1  }
0x55: {  	[tilespmem:$0x34E0] =	vst v1  }
0x56: {  	[tilespmem:$0x34F0] =	vst v1  }
0x57: {  	[tilespmem:$0x3500] =	vst v1  }
0x58: {  	[tilespmem:$0x3510] =	vst v1  }
0x59: {  	[tilespmem:$0x3520] =	vst v1  }
0x5a: {  	[tilespmem:$0x3530] =	vst v1  }
0x5b: {  	[tilespmem:$0x3540] =	vst v1  }
0x5c: {  	[tilespmem:$0x3550] =	vst v1  }
0x5d: {  	[tilespmem:$0x3560] =	vst v1  }
0x5e: {  	s21 =	simm.s32 $0x1000;
	s22 =	sadd.s32 $0x0, s6;
	[tilespmem:$0x3570] =	vst v1  }
.LBB2_2:
0x5f: {  	[spmem:s22] =	stream.linear.scatter [tilespmem:s12], [sflag:$0x1], $0x400, $0x38;
	[tilespmem:$0x1F180] =	vst v63  }
0x60: {  	s22 =	smov.u32 s21;
	p0 =	sne.s32 s21, $0x4E000  }
.Ltmp2:
0x61: {  	s21 =	sadd.s32 $0x1000, s21;
	(pc) =	sbr.rel @p0 .LBB2_2-.Ltmp2, $3  }
0x62: {  	_ =	sdelay $0x1  }
0x63: {  	s22 =	sshra.s32 s22, $0x2  }
0x64: {  	s22 =	sadd.s32 s22, s6  }
0x65: {  	[spmem:s22] =	stream.linear.scatter [tilespmem:s12], [sflag:$0x1], $0x400, $0x38;
	[tilespmem:$0x1F180] =	vst v63  }
0x66: {  	s0 =	simm.s32 $0x80;
	s1 =	simm.s32 $0x180  }
0x67: {  	[tilespmem:s1], [sflag:$0x11] =	stream.strided.gather [hbm4b:s7+s0], $0x2780, s14, s0, $0x38;
	[tilespmem:$0x1F180] =	vst v63  }
0x68: {  	_ =	swait.ge [sflag:s11], $0x2780  }
0x69: {  	[sflag:s11] =	ssyncset.done $0x0  }
0x6a: {  	[sflag:s11] =	ssyncadd.s32 $0xFFFFD880  }
0x6b: {  	[tilespmem:s16], [sflag:$0x11] =	stream.strided.gather [hbm4b:s8+s0], $0x2780, s14, s0, $0x38;
	[tilespmem:$0x1F180] =	vst v63  }
0x6c: {  	_ =	swait.ge [sflag:s11], $0x2780  }
0x6d: {  	s24 =	simm.s32 $0x0;
	s21 =	simm.s32 $0xFFFFFFF8;
	[sflag:s11] =	ssyncset.done $0x0  }
0x6e: {  	s22 =	simm.s32 $0x1C0;
	s23 =	simm.s32 $0x171C0;
	[sflag:s11] =	ssyncadd.s32 $0xFFFFD880  }
.LBB2_4:
0x6f: {  	v2 =	vld [tilespmem:s22+$0xFFFFFFC0]  }
0x70: {  	v3 =	vld [tilespmem:s23+$0xFFFFFFC0];
	_ =	sdelay $0x3  }
0x71: {  	v4 =	vshrl.u32 v2, $0x5  }
0x72: {  	v5 =	vshrl.u32 v3, $0x5;
	_ =	sdelay $0x3  }
0x73: {  	v4 =	vld.idx.msk [tilespmem:v4+s5+$0x0], $0xffff  }
0x74: {  	v5 =	vld.idx.msk [tilespmem:v5+s5+$0x0], $0xffff;
	_ =	sdelay $0x3  }
0x75: {  	v6 =	vand.u32 $0x1F, v2;
	v7 =	vand.u32 $0x1F, v3  }
0x76: {  	v4 =	vshrl.u32 v4, v6;
	v5 =	vshrl.u32 v5, v7  }
0x77: {  	v4 =	vand.u32 v4, v5  }
0x78: {  	v3 =	vshll.u32 v3, $0xE;
	v4 =	vand.u32 $0x1, v4  }
0x79: {  	v2 =	vor.u32 v2, v3;
	vm0 =	veq.s32 v4, $0x1  }
0x7a: {  	[tilespmem:s24+$0x180] =	vst.msk vm0, v2  }
0x7b: {  	v2 =	vld [tilespmem:s22+$0xFFFFFFD0]  }
0x7c: {  	v3 =	vmpcnt.ones.xlane vm0;
	v35 =	vld [tilespmem:s23+$0xFFFFFFD0];
	_ =	sdelay $0x1  }
0x7d: {  	(v2sf) =	vpush v3, $0x0;
	_ =	sdelay $0x1  }
0x7e: {  	v3 =	vshrl.u32 v2, $0x5  }
0x7f: {  	v36 =	vshrl.u32 v35, $0x5;
	_ =	sdelay $0x3  }
0x80: {  	v3 =	vld.idx.msk [tilespmem:v3+s5+$0x0], $0xffff  }
0x81: {  	v5 =	vld.idx.msk [tilespmem:v36+s5+$0x0], $0xffff;
	_ =	sdelay $0x3  }
0x82: {  	v37 =	vand.u32 $0x1F, v2;
	v38 =	vand.u32 $0x1F, v35  }
0x83: {  	v3 =	vshrl.u32 v3, v37;
	v5 =	vshrl.u32 v5, v38  }
0x84: {  	v3 =	vand.u32 v3, v5  }
0x85: {  	v4 =	vshll.u32 v35, $0xE;
	s25 =	spop (v2sf);
	v3 =	vand.u32 $0x1, v3  }
0x86: {  	v2 =	vor.u32 v2, v4;
	s13 =	sadd.s32 s24, s25;
	vm9 =	veq.s32 v3, $0x1  }
0x87: {  	[tilespmem:s13+$0x180] =	vst.msk vm9, v2  }
0x88: {  	v2 =	vld [tilespmem:s22+$0xFFFFFFE0]  }
0x89: {  	v3 =	vmpcnt.ones.xlane vm9;
	v39 =	vld [tilespmem:s23+$0xFFFFFFE0];
	_ =	sdelay $0x1  }
0x8a: {  	(v2sf) =	vpush v3, $0x0;
	_ =	sdelay $0x1  }
0x8b: {  	v3 =	vshrl.u32 v2, $0x5  }
0x8c: {  	v40 =	vshrl.u32 v39, $0x5;
	_ =	sdelay $0x3  }
0x8d: {  	v3 =	vld.idx.msk [tilespmem:v3+s5+$0x0], $0xffff  }
0x8e: {  	v5 =	vld.idx.msk [tilespmem:v40+s5+$0x0], $0xffff;
	_ =	sdelay $0x3  }
0x8f: {  	v41 =	vand.u32 $0x1F, v2;
	v42 =	vand.u32 $0x1F, v39  }
0x90: {  	v3 =	vshrl.u32 v3, v41;
	v5 =	vshrl.u32 v5, v42  }
0x91: {  	v3 =	vand.u32 v3, v5  }
0x92: {  	v4 =	vshll.u32 v39, $0xE;
	s15 =	spop (v2sf);
	v3 =	vand.u32 $0x1, v3  }
0x93: {  	v2 =	vor.u32 v2, v4;
	s24 =	sadd.s32 s13, s15;
	vm10 =	veq.s32 v3, $0x1  }
0x94: {  	[tilespmem:s24+$0x180] =	vst.msk vm10, v2  }
0x95: {  	v2 =	vld [tilespmem:s22+$0xFFFFFFF0]  }
0x96: {  	v3 =	vmpcnt.ones.xlane vm10;
	v43 =	vld [tilespmem:s23+$0xFFFFFFF0];
	_ =	sdelay $0x1  }
0x97: {  	(v2sf) =	vpush v3, $0x0;
	_ =	sdelay $0x1  }
0x98: {  	v3 =	vshrl.u32 v2, $0x5  }
0x99: {  	v44 =	vshrl.u32 v43, $0x5;
	_ =	sdelay $0x3  }
0x9a: {  	v3 =	vld.idx.msk [tilespmem:v3+s5+$0x0], $0xffff  }
0x9b: {  	v5 =	vld.idx.msk [tilespmem:v44+s5+$0x0], $0xffff;
	_ =	sdelay $0x3  }
0x9c: {  	v45 =	vand.u32 $0x1F, v2;
	v46 =	vand.u32 $0x1F, v43  }
0x9d: {  	v3 =	vshrl.u32 v3, v45;
	v5 =	vshrl.u32 v5, v46  }
0x9e: {  	v3 =	vand.u32 v3, v5  }
0x9f: {  	v4 =	vshll.u32 v43, $0xE;
	s19 =	spop (v2sf);
	v3 =	vand.u32 $0x1, v3  }
0xa0: {  	v2 =	vor.u32 v2, v4;
	s24 =	sadd.s32 s24, s19;
	vm11 =	veq.s32 v3, $0x1  }
0xa1: {  	[tilespmem:s24+$0x180] =	vst.msk vm11, v2  }
0xa2: {  	v2 =	vld [tilespmem:s22+$0x0]  }
0xa3: {  	v3 =	vmpcnt.ones.xlane vm11;
	v47 =	vld [tilespmem:s23+$0x0];
	_ =	sdelay $0x1  }
0xa4: {  	(v2sf) =	vpush v3, $0x0;
	_ =	sdelay $0x1  }
0xa5: {  	v3 =	vshrl.u32 v2, $0x5  }
0xa6: {  	v48 =	vshrl.u32 v47, $0x5;
	_ =	sdelay $0x3  }
0xa7: {  	v3 =	vld.idx.msk [tilespmem:v3+s5+$0x0], $0xffff  }
0xa8: {  	v5 =	vld.idx.msk [tilespmem:v48+s5+$0x0], $0xffff;
	_ =	sdelay $0x3  }
0xa9: {  	v49 =	vand.u32 $0x1F, v2;
	v50 =	vand.u32 $0x1F, v47  }
0xaa: {  	v3 =	vshrl.u32 v3, v49;
	v5 =	vshrl.u32 v5, v50  }
0xab: {  	v3 =	vand.u32 v3, v5  }
0xac: {  	v4 =	vshll.u32 v47, $0xE;
	s26 =	spop (v2sf);
	v3 =	vand.u32 $0x1, v3  }
0xad: {  	v2 =	vor.u32 v2, v4;
	s24 =	sadd.s32 s24, s26;
	vm12 =	veq.s32 v3, $0x1  }
0xae: {  	[tilespmem:s24+$0x180] =	vst.msk vm12, v2  }
0xaf: {  	v2 =	vld [tilespmem:s22+$0x10]  }
0xb0: {  	v3 =	vmpcnt.ones.xlane vm12;
	v51 =	vld [tilespmem:s23+$0x10];
	_ =	sdelay $0x1  }
0xb1: {  	(v2sf) =	vpush v3, $0x0;
	_ =	sdelay $0x1  }
0xb2: {  	v3 =	vshrl.u32 v2, $0x5  }
0xb3: {  	v52 =	vshrl.u32 v51, $0x5;
	_ =	sdelay $0x3  }
0xb4: {  	v3 =	vld.idx.msk [tilespmem:v3+s5+$0x0], $0xffff  }
0xb5: {  	v5 =	vld.idx.msk [tilespmem:v52+s5+$0x0], $0xffff;
	_ =	sdelay $0x3  }
0xb6: {  	v53 =	vand.u32 $0x1F, v2;
	v54 =	vand.u32 $0x1F, v51  }
0xb7: {  	v3 =	vshrl.u32 v3, v53;
	v5 =	vshrl.u32 v5, v54  }
0xb8: {  	v3 =	vand.u32 v3, v5  }
0xb9: {  	v4 =	vshll.u32 v51, $0xE;
	s28 =	spop (v2sf);
	v3 =	vand.u32 $0x1, v3  }
0xba: {  	v2 =	vor.u32 v2, v4;
	s24 =	sadd.s32 s24, s28;
	vm13 =	veq.s32 v3, $0x1  }
0xbb: {  	[tilespmem:s24+$0x180] =	vst.msk vm13, v2  }
0xbc: {  	v2 =	vld [tilespmem:s22+$0x20]  }
0xbd: {  	v3 =	vmpcnt.ones.xlane vm13;
	v55 =	vld [tilespmem:s23+$0x20];
	_ =	sdelay $0x1  }
0xbe: {  	(v2sf) =	vpush v3, $0x0;
	_ =	sdelay $0x1  }
0xbf: {  	v3 =	vshrl.u32 v2, $0x5  }
0xc0: {  	v56 =	vshrl.u32 v55, $0x5;
	_ =	sdelay $0x3  }
0xc1: {  	v3 =	vld.idx.msk [tilespmem:v3+s5+$0x0], $0xffff  }
0xc2: {  	v5 =	vld.idx.msk [tilespmem:v56+s5+$0x0], $0xffff;
	_ =	sdelay $0x3  }
0xc3: {  	v57 =	vand.u32 $0x1F, v2;
	v58 =	vand.u32 $0x1F, v55  }
0xc4: {  	v3 =	vshrl.u32 v3, v57;
	v5 =	vshrl.u32 v5, v58  }
0xc5: {  	v3 =	vand.u32 v3, v5  }
0xc6: {  	v4 =	vshll.u32 v55, $0xE;
	s29 =	spop (v2sf);
	v3 =	vand.u32 $0x1, v3  }
0xc7: {  	v2 =	vor.u32 v2, v4;
	s24 =	sadd.s32 s24, s29;
	vm14 =	veq.s32 v3, $0x1  }
0xc8: {  	[tilespmem:s24+$0x180] =	vst.msk vm14, v2  }
0xc9: {  	v2 =	vld [tilespmem:s22+$0x30]  }
0xca: {  	v3 =	vld [tilespmem:s23+$0x30];
	_ =	sdelay $0x3  }
0xcb: {  	v59 =	vshrl.u32 v2, $0x5  }
0xcc: {  	v60 =	vshrl.u32 v3, $0x5;
	_ =	sdelay $0x3  }
0xcd: {  	v4 =	vld.idx.msk [tilespmem:v59+s5+$0x0], $0xffff  }
0xce: {  	v5 =	vld.idx.msk [tilespmem:v60+s5+$0x0], $0xffff;
	_ =	sdelay $0x3  }
0xcf: {  	v61 =	vand.u32 $0x1F, v2;
	v62 =	vand.u32 $0x1F, v3  }
0xd0: {  	v4 =	vshrl.u32 v4, v61;
	v5 =	vshrl.u32 v5, v62  }
0xd1: {  	v4 =	vand.u32 v4, v5  }
0xd2: {  	v4 =	vand.u32 $0x1, v4  }
0xd3: {  	v63 =	vmpcnt.ones.xlane vm14;
	vm15 =	veq.s32 v4, $0x1  }
0xd4: {  	v4 =	vmpcnt.ones.xlane vm15  }
0xd5: {  	(v2sf) =	vpush v63, $0x0  }
0xd6: {  	(v2sf) =	vpush v4, $0x0;
	_ =	sdelay $0x9  }
0xd7: {  	s21 =	sadd.s32 $0x8, s21  }
0xd8: {  	p0 =	slt.u32 s21, $0x270  }
.Ltmp3:
0xd9: {  	_ = 	snop;
	(pc) =	sbr.rel @p0 .LBB2_4-.Ltmp3, $4  }
0xda: {  	_ = 	snop  }
0xdb: {  	v3 =	vshll.u32 v3, $0xE;
	s30 =	spop (v2sf)  }
0xdc: {  	v2 =	vor.u32 v2, v3;
	s24 =	sadd.s32 s24, s30;
	s31 =	spop (v2sf)  }
0xdd: {  	s22 =	sadd.s32 $0x80, s22;
	s23 =	sadd.s32 $0x80, s23;
	[tilespmem:s24+$0x180] =	vst.msk vm15, v2;
	s24 =	sadd.s32 s24, s31  }
0xde: {  	[tilespmem:s24+$0x180] =	vst v0  }
0xdf: {  	[tilespmem:s24+$0x190] =	vst v0  }
0xe0: {  	[tilespmem:s24+$0x1A0] =	vst v0  }
0xe1: {  	[tilespmem:s24+$0x1B0] =	vst v0  }
0xe2: {  	[tilespmem:s24+$0x1C0] =	vst v0  }
0xe3: {  	[tilespmem:s24+$0x1D0] =	vst v0  }
0xe4: {  	[tilespmem:s24+$0x1E0] =	vst v0  }
0xe5: {  	[tilespmem:s24+$0x1F0] =	vst v0  }
0xe6: {  	_ =	swait.ge [sflag:s17], $0x400  }
0xe7: {  	s21 =	simm.s32 $0x4E;
	[sflag:s17] =	ssyncset.done $0x0  }
.LBB2_6:
0xe8: {  	p0 =	sne.s32 s21, $0x1;
	s21 =	sadd.s32 $0xFFFFFFFF, s21;
	[sflag:s17] =	ssyncadd.s32 $0xFFFFFC00  }
.Ltmp4:
0xe9: {  	(pc) =	sbr.rel @p0 .LBB2_6-.Ltmp4, $3  }
0xea: {  	_ =	sdelay $0x1  }
0xeb: {  	_ =	swait.ge [sflag:s17], $0x400  }
0xec: {  	[sflag:s17] =	ssyncset.done $0x0  }
0xed: {  	[sflag:s17] =	ssyncadd.s32 $0xFFFFFC00  }
0xee: {  	[bflag:$0x0] =	sbarrier.arrive $0xFFFF  }
0xef: {  	v2 =	vld [tilespmem:$0x180];
	_ =	sdelay $0x1  }
0xf0: {  	s21 =	sadd.s32 $0x1F, s24;
	v3 =	vld [tilespmem:$0x190]  }
0xf1: {  	s22 =	sand.u32 $0x1F, s21  }
0xf2: {  	s23 =	sshra.s32 s21, $0x1F;
	p0 =	slt.s32 s21, $0x1;
	p1 =	sne.s32 s22, $0x0  }
0xf3: {  	s19 =	sshrl.u32 s23, $0x1B;
	p0 =	por !p0, !p1;
	v4 =	vand.u32 $0x3FFF, v2  }
0xf4: {  	s22 =	simm.s32 $0x1;
	s21 =	sadd.s32 s19, s21;
	p0 =	por !p0, !p0;
	v2 =	vshrl.u32 v2, $0xE;
	[tilespmem:$0x2980] =	vst v4  }
0xf5: {  	s21 =	sshra.s32 s21, $0x5;
	s22 =	simm.s32 @!p0 $0x0;
	[tilespmem:$0x2D80] =	vst v2;
	v2 =	vand.u32 $0x3FFF, v3  }
0xf6: {  	s21 =	ssub.s32 s21, s22;
	[tilespmem:$0x2990] =	vst v2;
	v2 =	vshrl.u32 v3, $0xE  }
0xf7: {  	s0 =	simm.s32 $0x2980;
	p0 =	slt.s32 s21, $0x2;
	[tilespmem:$0x2D90] =	vst v2  }
0xf8: {  	[tilespmem:s16], [sflag:$0x1] =	stream.indirect.gather [hbm4b:s3+s18], $0x80, s0, s18, $0xb8;
	[tilespmem:$0x1F180] =	vst v63  }
0xf9: {  	v2 =	vld @!p0 [tilespmem:$0x1A0];
	_ =	sdelay $0x1  }
0xfa: {  	v3 =	vld @!p0 [tilespmem:$0x1B0];
	_ =	sdelay $0x2  }
0xfb: {  	v4 =	vand.u32 @!p0 $0x3FFF, v2  }
0xfc: {  	v2 =	vshrl.u32 @!p0 v2, $0xE;
	[tilespmem:$0x2A00] =	vst @!p0 v4  }
0xfd: {  	[tilespmem:$0x2E00] =	vst @!p0 v2;
	v2 =	vand.u32 @!p0 $0x3FFF, v3  }
0xfe: {  	s22 =	simm.s32 @!p0 $0x20;
	p1 =	seq.s32 @!p0 s21, $0x2;
	[tilespmem:$0x2A10] =	vst @!p0 v2;
	v2 =	vshrl.u32 @!p0 v3, $0xE  }
0xff: {  	s23 =	simm.s32 @!p0 $0x2A00;
	s24 =	simm.s32 @!p0 $0x18180;
	p2 =	por p1, p0;
	[tilespmem:$0x2E10] =	vst @!p0 v2  }
0x100: {  	[tilespmem:s24], [sflag:$0x2] =	stream.indirect.gather @!p0 [hbm4b:s3+s22], $0x80, s23, s22, $0xb8;
	[tilespmem:$0x1F180] =	vst v63  }
0x101: {  	v2 =	vld @!p2 [tilespmem:$0x1C0];
	_ =	sdelay $0x1  }
0x102: {  	v3 =	vld @!p2 [tilespmem:$0x1D0];
	_ =	sdelay $0x2  }
0x103: {  	v4 =	vand.u32 @!p2 $0x3FFF, v2  }
0x104: {  	v2 =	vshrl.u32 @!p2 v2, $0xE;
	[tilespmem:$0x2A80] =	vst @!p2 v4  }
0x105: {  	[tilespmem:$0x2E80] =	vst @!p2 v2;
	v2 =	vand.u32 @!p2 $0x3FFF, v3  }
0x106: {  	[tilespmem:$0x2A90] =	vst @!p2 v2;
	v2 =	vshrl.u32 @!p2 v3, $0xE  }
0x107: {  	s22 =	simm.s32 @!p2 $0x20;
	s23 =	simm.s32 @!p2 $0x2A80;
	s24 =	simm.s32 @!p2 $0x19180;
	[tilespmem:$0x2E90] =	vst @!p2 v2  }
0x108: {  	[tilespmem:s24], [sflag:$0x3] =	stream.indirect.gather @!p2 [hbm4b:s3+s22], $0x80, s23, s22, $0xb8;
	[tilespmem:$0x1F180] =	vst v63  }
0x109: {  	p2 =	slt.u32 @!p2 s21, $0x4  }
0x10a: {  	p1 =	por @!p0 p2, p1  }
0x10b: {  	p0 =	por p1, p0  }
0x10c: {  	v2 =	vld @!p0 [tilespmem:$0x1E0];
	_ =	sdelay $0x1  }
0x10d: {  	v3 =	vld @!p0 [tilespmem:$0x1F0];
	_ =	sdelay $0x2  }
0x10e: {  	v4 =	vand.u32 @!p0 $0x3FFF, v2  }
0x10f: {  	v2 =	vshrl.u32 @!p0 v2, $0xE;
	[tilespmem:$0x2B00] =	vst @!p0 v4  }
0x110: {  	[tilespmem:$0x2F00] =	vst @!p0 v2;
	v2 =	vand.u32 @!p0 $0x3FFF, v3  }
0x111: {  	[tilespmem:$0x2B10] =	vst @!p0 v2;
	v2 =	vshrl.u32 @!p0 v3, $0xE  }
0x112: {  	s22 =	simm.s32 @!p0 $0x20;
	s23 =	simm.s32 @!p0 $0x2B00;
	s24 =	simm.s32 @!p0 $0x1A180;
	[tilespmem:$0x2F10] =	vst @!p0 v2  }
0x113: {  	[tilespmem:s24], [sflag:$0x4] =	stream.indirect.gather @!p0 [hbm4b:s3+s22], $0x80, s23, s22, $0xb8;
	[tilespmem:$0x1F180] =	vst v63  }
0x114: {  	p1 =	sle.s32 s21, $0x4;
	s23 =	simm.s32 $0x0  }
0x115: {  	p0 =	por @!p1 $0x1, $0x1;
	s22 =	sand.u32 $0x7, s23  }
0x116: {  	p2 =	por p0, p1;
	s24 =	sadd.s32 $0x1, s22;
	s30 =	sshll.u32 s22, $0xC  }
0x117: {  	s25 =	sshll.u32 s22, $0x7;
	s26 =	sxor.u32 @!p2 $0x4, s22;
	_ =	swait.ge [sflag:s24], $0x1000  }
0x118: {  	s22 =	sadd.s32 $0x9, s22;
	s25 =	sadd.s32 $0x2D80, s25;
	[sflag:s24] =	ssyncset.done $0x0  }
0x119: {  	s31 =	sadd.s32 $0x17180, s30;
	[sflag:s24] =	ssyncadd.s32 $0xFFFFF000;
	s24 =	sadd.s32 @!p2 $0x9, s26  }
0x11a: {  	[spmem:s4] =	stream.indirect.scatter.add.f32 [tilespmem:s31], [sflag:s22], $0x80, s25, s18, $0xb8;
	[tilespmem:$0x1F180] =	vst v63  }
0x11b: {  	_ =	swait.ge @!p2 [sflag:s24], $0x1000  }
0x11c: {  	[sflag:s24] =	ssyncset.done @!p2 $0x0  }
0x11d: {  	s23 =	simm.s32 $0x210;
	p0 =	por p1, p1;
	[sflag:s24] =	ssyncadd.s32 @!p2 $0xFFFFF000  }
0x11e: {  	s22 =	simm.s32 $0x4;
	v2 =	vld @!p0 [tilespmem:s23+$0xFFFFFFF0]  }
0x11f: {  	s25 =	sand.u32 @!p1 $0x7, s22;
	s22 =	smov.u32 s21;
	p2 =	sgt.s32 s21, $0x1  }
0x120: {  	s22 =	simm.s32 @!p2 $0x1  }
0x121: {  	p2 =	sne.s32 s22, $0x1  }
.Ltmp5:
0x122: {  	_ = 	snop;
	(pc) =	sbr.rel @!p2 .LBB2_9-.Ltmp5, $4  }
0x123: {  	s28 =	sshll.u32 @!p0 s25, $0x7;
	v3 =	vand.u32 @!p0 $0x3FFF, v2  }
0x124: {  	v2 =	vshrl.u32 @!p0 v2, $0xE;
	[tilespmem:s28+$0x2980] =	vst @!p0 v3  }
0x125: {  	s29 =	sshll.u32 @!p1 s25, $0xC;
	s26 =	sadd.s32 @!p1 $0x1, s25;
	[tilespmem:s28+$0x2D80] =	vst @!p0 v2  }
0x126: {  	s24 =	simm.s32 $0x1;
	s25 =	sadd.s32 @!p1 $0x17180, s29;
	s29 =	sadd.s32 @!p0 $0x2980, s28;
	v2 =	vld @!p0 [tilespmem:s23+$0x0]  }
.LBB2_8:
0x127: {  	_ = 	snop  }
0x128: {  	s30 =	simm.s32 @!p0 $0x20  }
0x129: {  	s23 =	sadd.s32 $0x20, s23;
	s31 =	smov.u32 s24;
	s24 =	sadd.s32 $0x1, s24  }
0x12a: {  	s2 =	sand.u32 $0x7, s31;
	s0 =	sadd.s32 $0x4, s31;
	p1 =	sne.s32 s22, s24  }
0x12b: {  	s15 =	sadd.s32 $0x1, s2;
	s19 =	sshll.u32 s2, $0xC;
	p2 =	sle.s32 s21, s0;
	v3 =	vand.u32 @!p0 $0x3FFF, v2;
	v2 =	vshrl.u32 @!p0 v2, $0xE  }
0x12c: {  	s1 =	sshll.u32 s2, $0x7;
	p3 =	slt.u32 @!p2 s31, $0x4;
	s0 =	sand.u32 @!p2 $0x7, s0;
	[tilespmem:s28+$0x2990] =	vst @!p0 v3  }
0x12d: {  	p3 =	por p3, p2;
	s31 =	sshll.u32 @!p2 s0, $0xC;
	s13 =	sadd.s32 @!p2 $0x1, s0;
	[tilespmem:s28+$0x2D90] =	vst @!p0 v2  }
0x12e: {  	[tilespmem:s25], [sflag:s26] =	stream.indirect.gather @!p0 [hbm4b:s3+s30], $0x80, s29, s30, $0xb8;
	[tilespmem:$0x1F180] =	vst v63  }
0x12f: {  	s26 =	sxor.u32 @!p3 $0x4, s2;
	s25 =	sadd.s32 @!p2 $0x17180, s31;
	_ =	swait.ge [sflag:s15], $0x1000  }
0x130: {  	s1 =	sadd.s32 $0x2D80, s1;
	s2 =	sadd.s32 $0x9, s2;
	[sflag:s15] =	ssyncset.done $0x0  }
0x131: {  	[sflag:s15] =	ssyncadd.s32 $0xFFFFF000;
	s15 =	sadd.s32 $0x17180, s19;
	s19 =	sadd.s32 @!p3 $0x9, s26  }
0x132: {  	[spmem:s4] =	stream.indirect.scatter.add.f32 [tilespmem:s15], [sflag:s2], $0x80, s1, s18, $0xb8;
	[tilespmem:$0x1F180] =	vst v63  }
0x133: {  	p0 =	por p2, p2;
	s26 =	smov.u32 s13;
	_ =	swait.ge @!p3 [sflag:s19], $0x1000  }
0x134: {  	[sflag:s19] =	ssyncset.done @!p3 $0x0  }
0x135: {  	[sflag:s19] =	ssyncadd.s32 @!p3 $0xFFFFF000  }
0x136: {  	v2 =	vld @!p0 [tilespmem:s23+$0xFFFFFFF0];
	_ =	sdelay $0x3  }
.Ltmp6:
0x137: {  	(pc) =	sbr.rel @p1 .LBB2_8-.Ltmp6, $4  }
0x138: {  	s28 =	sshll.u32 @!p0 s0, $0x7;
	v3 =	vand.u32 @!p0 $0x3FFF, v2;
	v2 =	vshrl.u32 @!p0 v2, $0xE  }
0x139: {  	s29 =	sadd.s32 @!p0 $0x2980, s28;
	[tilespmem:s28+$0x2980] =	vst @!p0 v3  }
0x13a: {  	[tilespmem:s28+$0x2D80] =	vst @!p0 v2  }
0x13b: {  	v2 =	vld @!p0 [tilespmem:s23+$0x0]  }
.LBB2_9:
0x13c: {  	_ =	sdelay $0x3  }
0x13d: {  	v3 =	vand.u32 @!p0 $0x3FFF, v2  }
0x13e: {  	v2 =	vshrl.u32 @!p0 v2, $0xE;
	[tilespmem:s28+$0x2990] =	vst @!p0 v3  }
0x13f: {  	s0 =	simm.s32 @!p0 $0x20;
	[tilespmem:s28+$0x2D90] =	vst @!p0 v2  }
0x140: {  	[tilespmem:s25], [sflag:s26] =	stream.indirect.gather @!p0 [hbm4b:s3+s0], $0x80, s29, s0, $0xb8;
	[tilespmem:$0x1F180] =	vst v63  }
0x141: {  	p0 =	sgt.s32 s21, $0x8  }
0x142: {  	s21 =	simm.s32 @!p0 $0x8  }
0x143: {  	s21 =	sadd.s32 $0xFFFFFFF8, s21  }
0x144: {  	p0 =	sge.s32 s21, s22  }
.Ltmp7:
0x145: {  	_ = 	snop;
	(pc) =	sbr.rel @p0 .LBB2_13-.Ltmp7, $1  }
0x146: {  	_ =	sdelay $0x3  }
0x147: {  	s0 =	sand.u32 $0x7, s21;
	s21 =	sadd.s32 $0x1, s21  }
0x148: {  	p0 =	sne.s32 s22, s21  }
.Ltmp8:
0x149: {  	_ = 	snop;
	(pc) =	sbr.rel @!p0 .LBB2_12-.Ltmp8, $4  }
0x14a: {  	_ = 	snop  }
0x14b: {  	s23 =	sadd.s32 $0x9, s0  }
0x14c: {  	_ =	swait.ge [sflag:s23], $0x1000  }
0x14d: {  	[sflag:s23] =	ssyncset.done $0x0  }
.LBB2_11:
0x14e: {  	s0 =	smov.u32 s21;
	s21 =	sadd.s32 $0x1, s21  }
0x14f: {  	[sflag:s23] =	ssyncadd.s32 $0xFFFFF000;
	p0 =	sne.s32 s22, s21  }
.Ltmp9:
0x150: {  	(pc) =	sbr.rel @p0 .LBB2_11-.Ltmp9, $4  }
0x151: {  	s0 =	sand.u32 $0x7, s0  }
0x152: {  	s23 =	sadd.s32 $0x9, s0  }
0x153: {  	_ =	swait.ge [sflag:s23], $0x1000  }
0x154: {  	[sflag:s23] =	ssyncset.done $0x0  }
.Ltmp10:
0x155: {  	_ = 	snop;
	(pc) =	sbr.rel .LBB2_12-.Ltmp10, $1  }
0x156: {  	_ =	sdelay $0x3  }
.LBB2_14:
0x157: {  	_ =	sfence.sel $0x180000  }
0x158: {  	[bflag:$0x0] =	sbarrier.arrive $0xFFFF  }
0x159: {  	_ =	strace $0x90000047  }
0x15a: {  	s0 =	stileid.u32;
	[bflag:$0x2] =	sbarrier.arrive $0xFFFF  }
0x15b: {  	p0 =	sne.s32 s0, $0x0;
	s0 =	rddreg [dreg:$0x4]  }
0x15c: {  	s0 =	sadd.s32 @!p0 $0x100000, s0  }
0x15d: {  	[sflag:s0] =	ssyncadd.tile.s32 @!p0 $0x1;
	_ =	shalt  }
.Lfunc_end2:
_tile_overlayer_lowered:
.L_overlay_start_2:
0x15e: {  	(tag) =	ssettag $0x2  }
0x15f: {  	s0 =	rddreg [dreg:$0x0];
	s2 =	stileid.u32  }
0x160: {  	s1 =	rddreg [dreg:$0x1];
	p0 =	sne.s32 s2, $0x0  }
0x161: {  	s3 =	rddreg [dreg:$0x2];
	[bflag:$0x3] =	sbarrier.arrive $0xFFFF;
	s2 =	simm.s32 @!p0 $0x1C11  }
0x162: {  	[timem:s3], [sflag:s2] =	dma.local @!p0 [hbm:s0], s1  }
0x163: {  	s0 =	simm.s32 @!p0 $0x11  }
0x164: {  	_ =	swait.ge @!p0 [sflag:s0], s1  }
0x165: {  	s1 =	ssub.s32 @!p0 $0x0, s1;
	[sflag:s0] =	ssyncset.done @!p0 $0x0  }
0x166: {  	[sflag:s0] =	ssyncadd.s32 @!p0 s1  }
0x167: {  	[bflag:$0x3] =	sbarrier.arrive $0xFFFF  }
0x168: {  	_ =	shalt  }

</sc_bundles>
